<compile_context>
chip_gen: v7x
topology: tpu7x:2x2x1
jax: 0.10.2.dev20260603
libtpu: 0.0.44.dev20260713+nightly
codegen_flags: <defaults>
</compile_context>

<pallas_src>
import functools

import jax
import jax.numpy as jnp
from jax import lax
from jax.experimental import pallas as pl
from jax.experimental.pallas import tpu as pltpu
from jax.experimental.pallas import tpu_sc as plsc

CHUNK = 128
NW = 32
RB = 1024


def _pack(v):
    return jnp.concatenate(
        [v[128 * a:128 * (a + 1), :] for a in range(8)], axis=1)


def _pre_body(x_ref, w_ref, b_ref, c_ref, wc_ref, bc_ref,
              self_ref, hxx_ref, cnew_ref):
    xb = x_ref[...]
    hid = w_ref.shape[1] // 2
    h2 = jnp.maximum(
        jnp.dot(xb, w_ref[...], preferred_element_type=jnp.float32)
        + b_ref[...], 0.0)
    self_ref[...] = _pack(h2[:, :hid])
    hxx_ref[...] = _pack(h2[:, hid:])
    cnew_ref[...] = jnp.maximum(
        jnp.dot(c_ref[...], wc_ref[...], preferred_element_type=jnp.float32)
        + bc_ref[...], 0.0)


def _tc_pre(x, W_x, b_x, W_xx, b_xx, c, W_c, b_c, n2):
    n, in_f = x.shape
    hid = W_x.shape[1]
    ctx = c.shape[1]
    w2 = jnp.concatenate([W_x, W_xx], axis=1)
    b2 = jnp.concatenate([b_x, b_xx]).reshape(1, 2 * hid)
    grid = (n2 // RB,)
    return pl.pallas_call(
        _pre_body,
        grid=grid,
        in_specs=[
            pl.BlockSpec((RB, in_f), lambda i: (i, 0)),
            pl.BlockSpec((in_f, 2 * hid), lambda i: (0, 0)),
            pl.BlockSpec((1, 2 * hid), lambda i: (0, 0)),
            pl.BlockSpec((1, ctx), lambda i: (0, 0)),
            pl.BlockSpec((ctx, hid), lambda i: (0, 0)),
            pl.BlockSpec((1, hid), lambda i: (0, 0)),
        ],
        out_specs=[
            pl.BlockSpec((RB // 8, 128), lambda i: (i, 0)),
            pl.BlockSpec((RB // 8, 128), lambda i: (i, 0)),
            pl.BlockSpec((1, hid), lambda i: (0, 0)),
        ],
        out_shape=[
            jax.ShapeDtypeStruct((n2 // 8, 128), jnp.float32),
            jax.ShapeDtypeStruct((n2 // 8, 128), jnp.float32),
            jax.ShapeDtypeStruct((1, hid), jnp.float32),
        ],
    )(x, w2, b2, c, W_c, b_c.reshape(1, -1))


def _sc_aggregate(hxx, ei3, n_pad, base_cpt, n_extra):
    hid = hxx.shape[1]
    rps = n_pad // 16
    cpt_max = base_cpt + (1 if n_extra else 0)
    mesh = plsc.VectorSubcoreMesh(core_axis_name="c", subcore_axis_name="s")

    @functools.partial(
        pl.kernel,
        mesh=mesh,
        out_type=jax.ShapeDtypeStruct((2 * n_pad, hid), jnp.float32),
        scratch_types=[
            pltpu.VMEM((cpt_max + 1, 2, CHUNK), jnp.int32),
            pltpu.VMEM((CHUNK, hid), jnp.float32),
            pltpu.VMEM((rps, hid), jnp.float32),
            pltpu.VMEM_SHARED((n_pad, hid), jnp.float32),
            pltpu.SemaphoreType.DMA,
        ],
        compiler_params=pltpu.CompilerParams(use_tc_tiling_on_sc=False),
    )
    def k(hxx_hbm, ei_hbm, out_hbm, idx_v, rows_v, zero_v, acc_sh, sem):
        cid = lax.axis_index("c")
        sid = lax.axis_index("s")
        wid = cid * 16 + sid

        def zbody(i, carry):
            zero_v[i, :] = jnp.zeros((hid,), jnp.float32)
            return carry
        lax.fori_loop(0, rps, zbody, 0)
        pltpu.sync_copy(zero_v, acc_sh.at[pl.ds(sid * rps, rps)])

        pltpu.sync_copy(ei_hbm.at[pl.ds(wid * base_cpt, base_cpt)],
                        idx_v.at[pl.ds(0, base_cpt)])
        n_ch = base_cpt
        if n_extra:
            @pl.when(wid < n_extra)
            def _():
                pltpu.sync_copy(ei_hbm.at[NW * base_cpt + wid],
                                idx_v.at[base_cpt])
            n_ch = base_cpt + (wid < n_extra).astype(jnp.int32)
        plsc.subcore_barrier()

        def xform(j):
            for kk in range(2):
                for m in range(8):
                    v = idx_v[j, kk, pl.ds(16 * m, 16)]
                    idx_v[j, kk, pl.ds(16 * m, 16)] = (
                        (v & -1024) | ((v & 127) << 3) | ((v >> 7) & 7))

        xform(0)

        def body(j, carry):
            cp = pltpu.async_copy(hxx_hbm.at[idx_v.at[j, 0]], rows_v, sem)
            xform(j + 1)
            cp.wait()
            pltpu.sync_copy(rows_v, acc_sh.at[idx_v.at[j, 1]], add=True)
            return carry

        lax.fori_loop(0, n_ch, body, 0)
        plsc.subcore_barrier()
        pltpu.sync_copy(acc_sh.at[pl.ds(sid * rps, rps)],
                        out_hbm.at[pl.ds(cid * n_pad + sid * rps, rps)])

    return k(hxx, ei3)


def _post_body(p0_ref, p1_ref, self_ref, wp_ref, bp_ref, out_ref):
    s = p0_ref[...] + p1_ref[...] + self_ref[...]
    wp = wp_ref[...]
    out_ref[...] = jnp.concatenate(
        [jnp.dot(s[:, 16 * a:16 * (a + 1)], wp,
                 preferred_element_type=jnp.float32) for a in range(8)],
        axis=0) + bp_ref[...]


def _tc_post(partials_p, self_p, W_pool, b_pool, n, n_pad):
    hid, out_f = W_pool.shape
    nblk = n_pad // RB
    grid = (nblk,)
    return pl.pallas_call(
        _post_body,
        grid=grid,
        in_specs=[
            pl.BlockSpec((RB // 8, 128), lambda i: (i, 0)),
            pl.BlockSpec((RB // 8, 128), lambda i, nb=nblk: (i + nb, 0)),
            pl.BlockSpec((RB // 8, 128), lambda i: (i, 0)),
            pl.BlockSpec((hid, out_f), lambda i: (0, 0)),
            pl.BlockSpec((1, out_f), lambda i: (0, 0)),
        ],
        out_specs=pl.BlockSpec((RB, out_f), lambda i: (i, 0)),
        out_shape=jax.ShapeDtypeStruct((n, out_f), jnp.float32),
    )(partials_p, partials_p, self_p, W_pool, b_pool.reshape(1, -1))


def kernel(x, c, edge_index, W_x, b_x, W_xx, b_xx, W_c, b_c, W_pool, b_pool):
    n = x.shape[0]
    hid = W_x.shape[1]
    e = edge_index.shape[1]
    assert e % CHUNK == 0
    n_chunks = e // CHUNK
    base_cpt = n_chunks // NW
    n_extra = n_chunks - base_cpt * NW

    n_pad = -(-n // RB) * RB

    self_p, hxx_p, c_new = _tc_pre(x, W_x, b_x, W_xx, b_xx, c, W_c, b_c,
                                   n_pad)

    ei3 = jnp.transpose(
        edge_index.astype(jnp.int32).reshape(2, n_chunks, CHUNK), (1, 0, 2))
    partials = _sc_aggregate(hxx_p.reshape(n_pad, hid), ei3, n_pad,
                             base_cpt, n_extra)
    partials_p = partials.reshape(2 * n_pad // 8, 128)
    x_new = _tc_post(partials_p, self_p, W_pool, b_pool, n, n_pad)
    return (x_new, c_new)

# --- scband reference (transcript-rebuilt; emitter-appended) ---
"""Pipeline reference for scband-cond-gcn-13804024889951 (READ-ONLY COPY).

The authoritative reference and input builder live on the scoring server;
editing this copy changes nothing except your own understanding.
"""

import jax, jax.numpy as jnp
import numpy as np

N_NODES = 10000
N_EDGES = 320000
IN_F = 128
CTX_F = 16
HID_F = 16
OUT_F = 128

def setup_inputs(seed: int = 0) -> dict:
    key = jax.random.key(seed)
    ks = jax.random.split(key, 12)
    x = jax.random.normal(ks[0], (N_NODES, IN_F), dtype=jnp.float32)
    c = jax.random.normal(ks[1], (1, CTX_F), dtype=jnp.float32)
    edge_index = jax.random.randint(ks[2], (2, N_EDGES), 0, N_NODES, dtype=jnp.int64)
    s = 1.0 / np.sqrt(IN_F)
    sc = 1.0 / np.sqrt(CTX_F)
    sh = 1.0 / np.sqrt(HID_F)
    W_x = jax.random.uniform(ks[3], (IN_F, HID_F), minval=-s, maxval=s, dtype=jnp.float32)
    b_x = jax.random.uniform(ks[4], (HID_F,), minval=-s, maxval=s, dtype=jnp.float32)
    W_xx = jax.random.uniform(ks[5], (IN_F, HID_F), minval=-s, maxval=s, dtype=jnp.float32)
    b_xx = jax.random.uniform(ks[6], (HID_F,), minval=-s, maxval=s, dtype=jnp.float32)
    W_c = jax.random.uniform(ks[7], (CTX_F, HID_F), minval=-sc, maxval=sc, dtype=jnp.float32)
    b_c = jax.random.uniform(ks[8], (HID_F,), minval=-sc, maxval=sc, dtype=jnp.float32)
    W_pool = jax.random.uniform(ks[9], (HID_F, OUT_F), minval=-sh, maxval=sh, dtype=jnp.float32)
    b_pool = jax.random.uniform(ks[10], (OUT_F,), minval=-sh, maxval=sh, dtype=jnp.float32)
    return {"x": x, "c": c, "edge_index": edge_index, "W_x": W_x, "b_x": b_x, "W_xx": W_xx, "b_xx": b_xx, "W_c": W_c, "b_c": b_c, "W_pool": W_pool, "b_pool": b_pool}

def reference(x, c, edge_index, W_x, b_x, W_xx, b_xx, W_c, b_c, W_pool, b_pool):
    n = x.shape[0]
    # self loop transform: layers['x']
    self_x = jax.nn.relu(x @ W_x + b_x)
    # message along ('x','->','x') edges: layers['x->x'] applied to gathered src features
    src = edge_index[0]
    dst = edge_index[1]
    msg = jax.nn.relu(jnp.take(x, src, axis=0) @ W_xx + b_xx)
    # aggregate: coalesce with op='add' == segment_sum over dst indices, incl. self loops
    all_vals = jnp.concatenate([msg, self_x], axis=0)
    all_idx = jnp.concatenate([dst, jnp.arange(n, dtype=dst.dtype)], axis=0)
    aggr = jax.ops.segment_sum(all_vals, all_idx, num_segments=n)
    x_new = aggr @ W_pool + b_pool
    # context update: layers['c']
    c_new = jax.nn.relu(c @ W_c + b_c)
    return (x_new, c_new)

if __name__ == "__main__":
    import jax
    _d = setup_inputs()
    print(jax.jit(kernel)(*tuple(_d.values())))

</pallas_src>

<mosaic_0001>
#map = affine_map<(d0, d1) -> (0, 0)>
#map1 = affine_map<(d0, d1) -> (0, 0, 0)>
module attributes {stable_mosaic.version = 14 : i64} {
  func.func @k(%arg0: i32, %arg1: i32, %arg2: memref<10240x16xf32, #tpu.memory_space<hbm>>, %arg3: memref<2500x2x128xi32, #tpu.memory_space<hbm>>, %arg4: memref<20480x16xf32, #tpu.memory_space<hbm>>, %arg5: memref<80x2x128xi32, #tpu.memory_space<vmem>>, %arg6: memref<128x16xf32, #tpu.memory_space<vmem>>, %arg7: memref<640x16xf32, #tpu.memory_space<vmem>>, %arg8: memref<10240x16xf32, #tpu.memory_space<vmem_shared>>, %arg9: memref<!tpu.dma_semaphore, #tpu.memory_space<semaphore_mem>>) attributes {dimension_semantics = [#tpu.dimension_semantics<core_parallel>, #tpu.dimension_semantics<subcore_parallel>], iteration_bounds = array<i64: 2, 16>, scalar_prefetch = 0 : i64, scratch_operands = 5 : i64, tpu.core_type = #tpu.core_type<sc_vector_subcore>, window_params = [{transform_indices = #map}, {transform_indices = #map1}, {transform_indices = #map}]} {
    %mul3A = arith.constant 16 : i32
    %mul3A_0 = arith.muli %arg0, %mul3A : i32
    %add3A = arith.addi %mul3A_0, %arg1 : i32
    %scan3A = arith.constant 0 : i32
    %scan3A_1 = arith.constant 0 : i32
    %scan3A_2 = arith.constant 640 : i32
    %scan3A_3 = arith.addi %scan3A_1, %scan3A_2 : i32
    %scan3A_4 = arith.constant 1 : i32
    scf.for %scan3A_540 = %scan3A_1 to %scan3A_3 step %scan3A_4  : i32 {
      %broadcast_in_dim3A = arith.constant 0.000000e+00 : f32
      %broadcast_in_dim3A_541 = vector.broadcast %broadcast_in_dim3A : f32 to vector<16xf32>
      %swap3A_542 = arith.index_cast %scan3A_540 : i32 to index
      %swap3A_543 = arith.constant 0 : index
      %swap3A_544 = tpu.vector_load %arg7[%swap3A_542, %swap3A_543] {strides = array<i32>} : memref<640x16xf32, #tpu.memory_space<vmem>>, vector<1x16xf32>,
      %swap3A_545 = vector.shape_cast %swap3A_544 : vector<1x16xf32> to vector<16xf32>
      %swap3A_546 = vector.shape_cast %broadcast_in_dim3A_541 : vector<16xf32> to vector<1x16xf32>
      tpu.vector_store %arg7[%swap3A_542, %swap3A_543], %swap3A_546 {strides = array<i32>} : memref<640x16xf32, #tpu.memory_space<vmem>>, vector<1x16xf32>,
    }
    %scan3A_5 = arith.constant 640 : i32
    %mul3A_6 = arith.constant 640 : i32
    %mul3A_7 = arith.muli %arg1, %mul3A_6 : i32
    "tpu.region"() ({
      %run_scoped3A = tpu.sem_alloc : memref<!tpu.dma_semaphore, #tpu.memory_space<semaphore_mem>>
      %dma_start3A = arith.constant 0 : i32
      %dma_start3A_540 = tpu.memref_slice %arg8[%mul3A_7, %dma_start3A] : memref<10240x16xf32, #tpu.memory_space<vmem_shared>> -> memref<640x16xf32, #tpu.memory_space<vmem_shared>>
      %dma_start3A_541 = arith.constant 0 : i32
      %dma_start3A_542 = tpu.memref_slice %arg8[%mul3A_7, %dma_start3A_541] : memref<10240x16xf32, #tpu.memory_space<vmem_shared>> -> memref<640x16xf32, #tpu.memory_space<vmem_shared>>
      tpu.enqueue_dma source(%arg7 : memref<640x16xf32, #tpu.memory_space<vmem>>) target(%dma_start3A_542 : memref<640x16xf32, #tpu.memory_space<vmem_shared>>) target_semaphore(%run_scoped3A : memref<!tpu.dma_semaphore, #tpu.memory_space<semaphore_mem>>)
      %dma_wait3A = arith.constant 0 : i32
      %dma_wait3A_543 = tpu.memref_slice %arg8[%mul3A_7, %dma_wait3A] : memref<10240x16xf32, #tpu.memory_space<vmem_shared>> -> memref<640x16xf32, #tpu.memory_space<vmem_shared>>
      %dma_wait3A_544 = arith.constant 0 : i32
      %dma_wait3A_545 = tpu.memref_slice %arg8[%mul3A_7, %dma_wait3A_544] : memref<10240x16xf32, #tpu.memory_space<vmem_shared>> -> memref<640x16xf32, #tpu.memory_space<vmem_shared>>
      tpu.wait_dma2 semaphore(%run_scoped3A : memref<!tpu.dma_semaphore, #tpu.memory_space<semaphore_mem>>) src(%arg7 : memref<640x16xf32, #tpu.memory_space<vmem>>) dst(%dma_wait3A_545 : memref<640x16xf32, #tpu.memory_space<vmem_shared>>)
      tpu.yield
    }) : () -> ()
    %mul3A_8 = arith.constant 78 : i32
    %mul3A_9 = arith.muli %add3A, %mul3A_8 : i32
    "tpu.region"() ({
      %run_scoped3A = tpu.sem_alloc : memref<!tpu.dma_semaphore, #tpu.memory_space<semaphore_mem>>
      %dma_start3A = arith.constant 0 : i32
      %dma_start3A_540 = arith.constant 0 : i32
      %dma_start3A_541 = arith.constant 0 : i32
      %dma_start3A_542 = tpu.memref_slice %arg5[%dma_start3A, %dma_start3A_540, %dma_start3A_541] : memref<80x2x128xi32, #tpu.memory_space<vmem>> -> memref<78x2x128xi32, #tpu.memory_space<vmem>>
      %dma_start3A_543 = arith.constant 0 : i32
      %dma_start3A_544 = arith.constant 0 : i32
      %dma_start3A_545 = tpu.memref_slice %arg3[%mul3A_9, %dma_start3A_543, %dma_start3A_544] : memref<2500x2x128xi32, #tpu.memory_space<hbm>> -> memref<78x2x128xi32, #tpu.memory_space<hbm>>
      %dma_start3A_546 = arith.constant 0 : i32
      %dma_start3A_547 = arith.constant 0 : i32
      %dma_start3A_548 = arith.constant 0 : i32
      %dma_start3A_549 = tpu.memref_slice %arg5[%dma_start3A_546, %dma_start3A_547, %dma_start3A_548] : memref<80x2x128xi32, #tpu.memory_space<vmem>> -> memref<78x2x128xi32, #tpu.memory_space<vmem>>
      %dma_start3A_550 = arith.constant 0 : i32
      %dma_start3A_551 = arith.constant 0 : i32
      %dma_start3A_552 = tpu.memref_slice %arg3[%mul3A_9, %dma_start3A_550, %dma_start3A_551] : memref<2500x2x128xi32, #tpu.memory_space<hbm>> -> memref<78x2x128xi32, #tpu.memory_space<hbm>>
      tpu.enqueue_dma source(%dma_start3A_552 : memref<78x2x128xi32, #tpu.memory_space<hbm>>) target(%dma_start3A_549 : memref<78x2x128xi32, #tpu.memory_space<vmem>>) target_semaphore(%run_scoped3A : memref<!tpu.dma_semaphore, #tpu.memory_space<semaphore_mem>>)
      %dma_wait3A = arith.constant 0 : i32
      %dma_wait3A_553 = arith.constant 0 : i32
      %dma_wait3A_554 = arith.constant 0 : i32
      %dma_wait3A_555 = tpu.memref_slice %arg5[%dma_wait3A, %dma_wait3A_553, %dma_wait3A_554] : memref<80x2x128xi32, #tpu.memory_space<vmem>> -> memref<78x2x128xi32, #tpu.memory_space<vmem>>
      %dma_wait3A_556 = arith.constant 0 : i32
      %dma_wait3A_557 = arith.constant 0 : i32
      %dma_wait3A_558 = tpu.memref_slice %arg3[%mul3A_9, %dma_wait3A_556, %dma_wait3A_557] : memref<2500x2x128xi32, #tpu.memory_space<hbm>> -> memref<78x2x128xi32, #tpu.memory_space<hbm>>
      %dma_wait3A_559 = arith.constant 0 : i32
      %dma_wait3A_560 = arith.constant 0 : i32
      %dma_wait3A_561 = arith.constant 0 : i32
      %dma_wait3A_562 = tpu.memref_slice %arg5[%dma_wait3A_559, %dma_wait3A_560, %dma_wait3A_561] : memref<80x2x128xi32, #tpu.memory_space<vmem>> -> memref<78x2x128xi32, #tpu.memory_space<vmem>>
      %dma_wait3A_563 = arith.constant 0 : i32
      %dma_wait3A_564 = arith.constant 0 : i32
      %dma_wait3A_565 = tpu.memref_slice %arg3[%mul3A_9, %dma_wait3A_563, %dma_wait3A_564] : memref<2500x2x128xi32, #tpu.memory_space<hbm>> -> memref<78x2x128xi32, #tpu.memory_space<hbm>>
      tpu.wait_dma2 semaphore(%run_scoped3A : memref<!tpu.dma_semaphore, #tpu.memory_space<semaphore_mem>>) src(%dma_wait3A_565 : memref<78x2x128xi32, #tpu.memory_space<hbm>>) dst(%dma_wait3A_562 : memref<78x2x128xi32, #tpu.memory_space<vmem>>)
      tpu.yield
    }) : () -> ()
    %lt3A = arith.constant 4 : i32
    %lt3A_10 = arith.cmpi slt, %add3A, %lt3A : i32
    %convert_element_type3A = arith.extui %lt3A_10 : i1 to i32
    %cond3A = arith.constant 0 : i32
    %cond3A_11 = arith.cmpi ne, %convert_element_type3A, %cond3A : i32
    scf.if %cond3A_11 {
      %add3A_540 = arith.constant 2496 : i32
      %add3A_541 = arith.addi %add3A_540, %add3A : i32
      %run_scoped3A = arith.constant 78 : i32
      "tpu.region"() ({
        %run_scoped3A_542 = tpu.sem_alloc : memref<!tpu.dma_semaphore, #tpu.memory_space<semaphore_mem>>
        %dma_start3A = arith.constant 0 : i32
        %dma_start3A_543 = arith.constant 0 : i32
        %dma_start3A_544 = tpu.memref_slice %arg5[%run_scoped3A, %dma_start3A, %dma_start3A_543] : memref<80x2x128xi32, #tpu.memory_space<vmem>> -> memref<1x2x128xi32, #tpu.memory_space<vmem>>
        %dma_start3A_545 = tpu.memref_squeeze %dma_start3A_544 : memref<1x2x128xi32, #tpu.memory_space<vmem>> -> memref<2x128xi32, #tpu.memory_space<vmem>>
        %dma_start3A_546 = arith.constant 0 : i32
        %dma_start3A_547 = arith.constant 0 : i32
        %dma_start3A_548 = tpu.memref_slice %arg3[%add3A_541, %dma_start3A_546, %dma_start3A_547] : memref<2500x2x128xi32, #tpu.memory_space<hbm>> -> memref<1x2x128xi32, #tpu.memory_space<hbm>>
        %dma_start3A_549 = tpu.memref_squeeze %dma_start3A_548 : memref<1x2x128xi32, #tpu.memory_space<hbm>> -> memref<2x128xi32, #tpu.memory_space<hbm>>
        %dma_start3A_550 = arith.constant 0 : i32
        %dma_start3A_551 = arith.constant 0 : i32
        %dma_start3A_552 = tpu.memref_slice %arg5[%run_scoped3A, %dma_start3A_550, %dma_start3A_551] : memref<80x2x128xi32, #tpu.memory_space<vmem>> -> memref<1x2x128xi32, #tpu.memory_space<vmem>>
        %dma_start3A_553 = tpu.memref_squeeze %dma_start3A_552 : memref<1x2x128xi32, #tpu.memory_space<vmem>> -> memref<2x128xi32, #tpu.memory_space<vmem>>
        %dma_start3A_554 = arith.constant 0 : i32
        %dma_start3A_555 = arith.constant 0 : i32
        %dma_start3A_556 = tpu.memref_slice %arg3[%add3A_541, %dma_start3A_554, %dma_start3A_555] : memref<2500x2x128xi32, #tpu.memory_space<hbm>> -> memref<1x2x128xi32, #tpu.memory_space<hbm>>
        %dma_start3A_557 = tpu.memref_squeeze %dma_start3A_556 : memref<1x2x128xi32, #tpu.memory_space<hbm>> -> memref<2x128xi32, #tpu.memory_space<hbm>>
        tpu.enqueue_dma source(%dma_start3A_557 : memref<2x128xi32, #tpu.memory_space<hbm>>) target(%dma_start3A_553 : memref<2x128xi32, #tpu.memory_space<vmem>>) target_semaphore(%run_scoped3A_542 : memref<!tpu.dma_semaphore, #tpu.memory_space<semaphore_mem>>)
        %dma_wait3A = arith.constant 0 : i32
        %dma_wait3A_558 = arith.constant 0 : i32
        %dma_wait3A_559 = tpu.memref_slice %arg5[%run_scoped3A, %dma_wait3A, %dma_wait3A_558] : memref<80x2x128xi32, #tpu.memory_space<vmem>> -> memref<1x2x128xi32, #tpu.memory_space<vmem>>
        %dma_wait3A_560 = tpu.memref_squeeze %dma_wait3A_559 : memref<1x2x128xi32, #tpu.memory_space<vmem>> -> memref<2x128xi32, #tpu.memory_space<vmem>>
        %dma_wait3A_561 = arith.constant 0 : i32
        %dma_wait3A_562 = arith.constant 0 : i32
        %dma_wait3A_563 = tpu.memref_slice %arg3[%add3A_541, %dma_wait3A_561, %dma_wait3A_562] : memref<2500x2x128xi32, #tpu.memory_space<hbm>> -> memref<1x2x128xi32, #tpu.memory_space<hbm>>
        %dma_wait3A_564 = tpu.memref_squeeze %dma_wait3A_563 : memref<1x2x128xi32, #tpu.memory_space<hbm>> -> memref<2x128xi32, #tpu.memory_space<hbm>>
        %dma_wait3A_565 = arith.constant 0 : i32
        %dma_wait3A_566 = arith.constant 0 : i32
        %dma_wait3A_567 = tpu.memref_slice %arg5[%run_scoped3A, %dma_wait3A_565, %dma_wait3A_566] : memref<80x2x128xi32, #tpu.memory_space<vmem>> -> memref<1x2x128xi32, #tpu.memory_space<vmem>>
        %dma_wait3A_568 = tpu.memref_squeeze %dma_wait3A_567 : memref<1x2x128xi32, #tpu.memory_space<vmem>> -> memref<2x128xi32, #tpu.memory_space<vmem>>
        %dma_wait3A_569 = arith.constant 0 : i32
        %dma_wait3A_570 = arith.constant 0 : i32
        %dma_wait3A_571 = tpu.memref_slice %arg3[%add3A_541, %dma_wait3A_569, %dma_wait3A_570] : memref<2500x2x128xi32, #tpu.memory_space<hbm>> -> memref<1x2x128xi32, #tpu.memory_space<hbm>>
        %dma_wait3A_572 = tpu.memref_squeeze %dma_wait3A_571 : memref<1x2x128xi32, #tpu.memory_space<hbm>> -> memref<2x128xi32, #tpu.memory_space<hbm>>
        tpu.wait_dma2 semaphore(%run_scoped3A_542 : memref<!tpu.dma_semaphore, #tpu.memory_space<semaphore_mem>>) src(%dma_wait3A_572 : memref<2x128xi32, #tpu.memory_space<hbm>>) dst(%dma_wait3A_568 : memref<2x128xi32, #tpu.memory_space<vmem>>)
        tpu.yield
      }) : () -> ()
    } else {
    }
    %lt3A_12 = arith.constant 4 : i32
    %lt3A_13 = arith.cmpi slt, %add3A, %lt3A_12 : i32
    %convert_element_type3A_14 = arith.extui %lt3A_13 : i1 to i32
    %add3A_15 = arith.constant 78 : i32
    %add3A_16 = arith.addi %add3A_15, %convert_element_type3A_14 : i32
    %barrier3A = arith.constant 0 : index
    tpu.barrier barrier_id(%barrier3A)
    %get3A = arith.constant 0 : i32
    %get3A_17 = arith.constant 0 : i32
    %get3A_18 = arith.index_cast %get3A : i32 to index
    %get3A_19 = arith.index_cast %get3A_17 : i32 to index
    %get3A_20 = arith.constant 0 : index
    %get3A_21 = tpu.vector_load %arg5[%get3A_18, %get3A_19, %get3A_20] {strides = array<i32>} : memref<80x2x128xi32, #tpu.memory_space<vmem>>, vector<1x1x16xi32>,
    %get3A_22 = vector.shape_cast %get3A_21 : vector<1x1x16xi32> to vector<16xi32>
    %and3A = arith.constant -1024 : i32
    %and3A_23 = vector.broadcast %and3A : i32 to vector<16xi32>
    %and3A_24 = arith.andi %get3A_22, %and3A_23 : vector<16xi32>
    %and3A_25 = arith.constant 127 : i32
    %and3A_26 = vector.broadcast %and3A_25 : i32 to vector<16xi32>
    %and3A_27 = arith.andi %get3A_22, %and3A_26 : vector<16xi32>
    %shift_left3A = arith.constant 3 : i32
    %shift_left3A_28 = vector.broadcast %shift_left3A : i32 to vector<16xi32>
    %shift_left3A_29 = arith.shli %and3A_27, %shift_left3A_28 : vector<16xi32>
    %or3A = arith.ori %and3A_24, %shift_left3A_29 : vector<16xi32>
    %shift_right_arithmetic3A = arith.constant 7 : i32
    %shift_right_arithmetic3A_30 = vector.broadcast %shift_right_arithmetic3A : i32 to vector<16xi32>
    %shift_right_arithmetic3A_31 = arith.shrsi %get3A_22, %shift_right_arithmetic3A_30 : vector<16xi32>
    %and3A_32 = arith.constant 7 : i32
    %and3A_33 = vector.broadcast %and3A_32 : i32 to vector<16xi32>
    %and3A_34 = arith.andi %shift_right_arithmetic3A_31, %and3A_33 : vector<16xi32>
    %or3A_35 = arith.ori %or3A, %and3A_34 : vector<16xi32>
    %swap3A = arith.constant 0 : i32
    %swap3A_36 = arith.constant 0 : i32
    %swap3A_37 = arith.index_cast %swap3A : i32 to index
    %swap3A_38 = arith.index_cast %swap3A_36 : i32 to index
    %swap3A_39 = arith.constant 0 : index
    %swap3A_40 = tpu.vector_load %arg5[%swap3A_37, %swap3A_38, %swap3A_39] {strides = array<i32>} : memref<80x2x128xi32, #tpu.memory_space<vmem>>, vector<1x1x16xi32>,
    %swap3A_41 = vector.shape_cast %swap3A_40 : vector<1x1x16xi32> to vector<16xi32>
    %swap3A_42 = vector.shape_cast %or3A_35 : vector<16xi32> to vector<1x1x16xi32>
    tpu.vector_store %arg5[%swap3A_37, %swap3A_38, %swap3A_39], %swap3A_42 {strides = array<i32>} : memref<80x2x128xi32, #tpu.memory_space<vmem>>, vector<1x1x16xi32>,
    %get3A_43 = arith.constant 0 : i32
    %get3A_44 = arith.constant 0 : i32
    %get3A_45 = arith.index_cast %get3A_43 : i32 to index
    %get3A_46 = arith.index_cast %get3A_44 : i32 to index
    %get3A_47 = arith.constant 16 : index
    %get3A_48 = tpu.vector_load %arg5[%get3A_45, %get3A_46, %get3A_47] {strides = array<i32>} : memref<80x2x128xi32, #tpu.memory_space<vmem>>, vector<1x1x16xi32>,
    %get3A_49 = vector.shape_cast %get3A_48 : vector<1x1x16xi32> to vector<16xi32>
    %and3A_50 = arith.constant -1024 : i32
    %and3A_51 = vector.broadcast %and3A_50 : i32 to vector<16xi32>
    %and3A_52 = arith.andi %get3A_49, %and3A_51 : vector<16xi32>
    %and3A_53 = arith.constant 127 : i32
    %and3A_54 = vector.broadcast %and3A_53 : i32 to vector<16xi32>
    %and3A_55 = arith.andi %get3A_49, %and3A_54 : vector<16xi32>
    %shift_left3A_56 = arith.constant 3 : i32
    %shift_left3A_57 = vector.broadcast %shift_left3A_56 : i32 to vector<16xi32>
    %shift_left3A_58 = arith.shli %and3A_55, %shift_left3A_57 : vector<16xi32>
    %or3A_59 = arith.ori %and3A_52, %shift_left3A_58 : vector<16xi32>
    %shift_right_arithmetic3A_60 = arith.constant 7 : i32
    %shift_right_arithmetic3A_61 = vector.broadcast %shift_right_arithmetic3A_60 : i32 to vector<16xi32>
    %shift_right_arithmetic3A_62 = arith.shrsi %get3A_49, %shift_right_arithmetic3A_61 : vector<16xi32>
    %and3A_63 = arith.constant 7 : i32
    %and3A_64 = vector.broadcast %and3A_63 : i32 to vector<16xi32>
    %and3A_65 = arith.andi %shift_right_arithmetic3A_62, %and3A_64 : vector<16xi32>
    %or3A_66 = arith.ori %or3A_59, %and3A_65 : vector<16xi32>
    %swap3A_67 = arith.constant 0 : i32
    %swap3A_68 = arith.constant 0 : i32
    %swap3A_69 = arith.index_cast %swap3A_67 : i32 to index
    %swap3A_70 = arith.index_cast %swap3A_68 : i32 to index
    %swap3A_71 = arith.constant 16 : index
    %swap3A_72 = tpu.vector_load %arg5[%swap3A_69, %swap3A_70, %swap3A_71] {strides = array<i32>} : memref<80x2x128xi32, #tpu.memory_space<vmem>>, vector<1x1x16xi32>,
    %swap3A_73 = vector.shape_cast %swap3A_72 : vector<1x1x16xi32> to vector<16xi32>
    %swap3A_74 = vector.shape_cast %or3A_66 : vector<16xi32> to vector<1x1x16xi32>
    tpu.vector_store %arg5[%swap3A_69, %swap3A_70, %swap3A_71], %swap3A_74 {strides = array<i32>} : memref<80x2x128xi32, #tpu.memory_space<vmem>>, vector<1x1x16xi32>,
    %get3A_75 = arith.constant 0 : i32
    %get3A_76 = arith.constant 0 : i32
    %get3A_77 = arith.index_cast %get3A_75 : i32 to index
    %get3A_78 = arith.index_cast %get3A_76 : i32 to index
    %get3A_79 = arith.constant 32 : index
    %get3A_80 = tpu.vector_load %arg5[%get3A_77, %get3A_78, %get3A_79] {strides = array<i32>} : memref<80x2x128xi32, #tpu.memory_space<vmem>>, vector<1x1x16xi32>,
    %get3A_81 = vector.shape_cast %get3A_80 : vector<1x1x16xi32> to vector<16xi32>
    %and3A_82 = arith.constant -1024 : i32
    %and3A_83 = vector.broadcast %and3A_82 : i32 to vector<16xi32>
    %and3A_84 = arith.andi %get3A_81, %and3A_83 : vector<16xi32>
    %and3A_85 = arith.constant 127 : i32
    %and3A_86 = vector.broadcast %and3A_85 : i32 to vector<16xi32>
    %and3A_87 = arith.andi %get3A_81, %and3A_86 : vector<16xi32>
    %shift_left3A_88 = arith.constant 3 : i32
    %shift_left3A_89 = vector.broadcast %shift_left3A_88 : i32 to vector<16xi32>
    %shift_left3A_90 = arith.shli %and3A_87, %shift_left3A_89 : vector<16xi32>
    %or3A_91 = arith.ori %and3A_84, %shift_left3A_90 : vector<16xi32>
    %shift_right_arithmetic3A_92 = arith.constant 7 : i32
    %shift_right_arithmetic3A_93 = vector.broadcast %shift_right_arithmetic3A_92 : i32 to vector<16xi32>
    %shift_right_arithmetic3A_94 = arith.shrsi %get3A_81, %shift_right_arithmetic3A_93 : vector<16xi32>
    %and3A_95 = arith.constant 7 : i32
    %and3A_96 = vector.broadcast %and3A_95 : i32 to vector<16xi32>
    %and3A_97 = arith.andi %shift_right_arithmetic3A_94, %and3A_96 : vector<16xi32>
    %or3A_98 = arith.ori %or3A_91, %and3A_97 : vector<16xi32>
    %swap3A_99 = arith.constant 0 : i32
    %swap3A_100 = arith.constant 0 : i32
    %swap3A_101 = arith.index_cast %swap3A_99 : i32 to index
    %swap3A_102 = arith.index_cast %swap3A_100 : i32 to index
    %swap3A_103 = arith.constant 32 : index
    %swap3A_104 = tpu.vector_load %arg5[%swap3A_101, %swap3A_102, %swap3A_103] {strides = array<i32>} : memref<80x2x128xi32, #tpu.memory_space<vmem>>, vector<1x1x16xi32>,
    %swap3A_105 = vector.shape_cast %swap3A_104 : vector<1x1x16xi32> to vector<16xi32>
    %swap3A_106 = vector.shape_cast %or3A_98 : vector<16xi32> to vector<1x1x16xi32>
    tpu.vector_store %arg5[%swap3A_101, %swap3A_102, %swap3A_103], %swap3A_106 {strides = array<i32>} : memref<80x2x128xi32, #tpu.memory_space<vmem>>, vector<1x1x16xi32>,
    %get3A_107 = arith.constant 0 : i32
    %get3A_108 = arith.constant 0 : i32
    %get3A_109 = arith.index_cast %get3A_107 : i32 to index
    %get3A_110 = arith.index_cast %get3A_108 : i32 to index
    %get3A_111 = arith.constant 48 : index
    %get3A_112 = tpu.vector_load %arg5[%get3A_109, %get3A_110, %get3A_111] {strides = array<i32>} : memref<80x2x128xi32, #tpu.memory_space<vmem>>, vector<1x1x16xi32>,
    %get3A_113 = vector.shape_cast %get3A_112 : vector<1x1x16xi32> to vector<16xi32>
    %and3A_114 = arith.constant -1024 : i32
    %and3A_115 = vector.broadcast %and3A_114 : i32 to vector<16xi32>
    %and3A_116 = arith.andi %get3A_113, %and3A_115 : vector<16xi32>
    %and3A_117 = arith.constant 127 : i32
    %and3A_118 = vector.broadcast %and3A_117 : i32 to vector<16xi32>
    %and3A_119 = arith.andi %get3A_113, %and3A_118 : vector<16xi32>
    %shift_left3A_120 = arith.constant 3 : i32
    %shift_left3A_121 = vector.broadcast %shift_left3A_120 : i32 to vector<16xi32>
    %shift_left3A_122 = arith.shli %and3A_119, %shift_left3A_121 : vector<16xi32>
    %or3A_123 = arith.ori %and3A_116, %shift_left3A_122 : vector<16xi32>
    %shift_right_arithmetic3A_124 = arith.constant 7 : i32
    %shift_right_arithmetic3A_125 = vector.broadcast %shift_right_arithmetic3A_124 : i32 to vector<16xi32>
    %shift_right_arithmetic3A_126 = arith.shrsi %get3A_113, %shift_right_arithmetic3A_125 : vector<16xi32>
    %and3A_127 = arith.constant 7 : i32
    %and3A_128 = vector.broadcast %and3A_127 : i32 to vector<16xi32>
    %and3A_129 = arith.andi %shift_right_arithmetic3A_126, %and3A_128 : vector<16xi32>
    %or3A_130 = arith.ori %or3A_123, %and3A_129 : vector<16xi32>
    %swap3A_131 = arith.constant 0 : i32
    %swap3A_132 = arith.constant 0 : i32
    %swap3A_133 = arith.index_cast %swap3A_131 : i32 to index
    %swap3A_134 = arith.index_cast %swap3A_132 : i32 to index
    %swap3A_135 = arith.constant 48 : index
    %swap3A_136 = tpu.vector_load %arg5[%swap3A_133, %swap3A_134, %swap3A_135] {strides = array<i32>} : memref<80x2x128xi32, #tpu.memory_space<vmem>>, vector<1x1x16xi32>,
    %swap3A_137 = vector.shape_cast %swap3A_136 : vector<1x1x16xi32> to vector<16xi32>
    %swap3A_138 = vector.shape_cast %or3A_130 : vector<16xi32> to vector<1x1x16xi32>
    tpu.vector_store %arg5[%swap3A_133, %swap3A_134, %swap3A_135], %swap3A_138 {strides = array<i32>} : memref<80x2x128xi32, #tpu.memory_space<vmem>>, vector<1x1x16xi32>,
    %get3A_139 = arith.constant 0 : i32
    %get3A_140 = arith.constant 0 : i32
    %get3A_141 = arith.index_cast %get3A_139 : i32 to index
    %get3A_142 = arith.index_cast %get3A_140 : i32 to index
    %get3A_143 = arith.constant 64 : index
    %get3A_144 = tpu.vector_load %arg5[%get3A_141, %get3A_142, %get3A_143] {strides = array<i32>} : memref<80x2x128xi32, #tpu.memory_space<vmem>>, vector<1x1x16xi32>,
    %get3A_145 = vector.shape_cast %get3A_144 : vector<1x1x16xi32> to vector<16xi32>
    %and3A_146 = arith.constant -1024 : i32
    %and3A_147 = vector.broadcast %and3A_146 : i32 to vector<16xi32>
    %and3A_148 = arith.andi %get3A_145, %and3A_147 : vector<16xi32>
    %and3A_149 = arith.constant 127 : i32
    %and3A_150 = vector.broadcast %and3A_149 : i32 to vector<16xi32>
    %and3A_151 = arith.andi %get3A_145, %and3A_150 : vector<16xi32>
    %shift_left3A_152 = arith.constant 3 : i32
    %shift_left3A_153 = vector.broadcast %shift_left3A_152 : i32 to vector<16xi32>
    %shift_left3A_154 = arith.shli %and3A_151, %shift_left3A_153 : vector<16xi32>
    %or3A_155 = arith.ori %and3A_148, %shift_left3A_154 : vector<16xi32>
    %shift_right_arithmetic3A_156 = arith.constant 7 : i32
    %shift_right_arithmetic3A_157 = vector.broadcast %shift_right_arithmetic3A_156 : i32 to vector<16xi32>
    %shift_right_arithmetic3A_158 = arith.shrsi %get3A_145, %shift_right_arithmetic3A_157 : vector<16xi32>
    %and3A_159 = arith.constant 7 : i32
    %and3A_160 = vector.broadcast %and3A_159 : i32 to vector<16xi32>
    %and3A_161 = arith.andi %shift_right_arithmetic3A_158, %and3A_160 : vector<16xi32>
    %or3A_162 = arith.ori %or3A_155, %and3A_161 : vector<16xi32>
    %swap3A_163 = arith.constant 0 : i32
    %swap3A_164 = arith.constant 0 : i32
    %swap3A_165 = arith.index_cast %swap3A_163 : i32 to index
    %swap3A_166 = arith.index_cast %swap3A_164 : i32 to index
    %swap3A_167 = arith.constant 64 : index
    %swap3A_168 = tpu.vector_load %arg5[%swap3A_165, %swap3A_166, %swap3A_167] {strides = array<i32>} : memref<80x2x128xi32, #tpu.memory_space<vmem>>, vector<1x1x16xi32>,
    %swap3A_169 = vector.shape_cast %swap3A_168 : vector<1x1x16xi32> to vector<16xi32>
    %swap3A_170 = vector.shape_cast %or3A_162 : vector<16xi32> to vector<1x1x16xi32>
    tpu.vector_store %arg5[%swap3A_165, %swap3A_166, %swap3A_167], %swap3A_170 {strides = array<i32>} : memref<80x2x128xi32, #tpu.memory_space<vmem>>, vector<1x1x16xi32>,
    %get3A_171 = arith.constant 0 : i32
    %get3A_172 = arith.constant 0 : i32
    %get3A_173 = arith.index_cast %get3A_171 : i32 to index
    %get3A_174 = arith.index_cast %get3A_172 : i32 to index
    %get3A_175 = arith.constant 80 : index
    %get3A_176 = tpu.vector_load %arg5[%get3A_173, %get3A_174, %get3A_175] {strides = array<i32>} : memref<80x2x128xi32, #tpu.memory_space<vmem>>, vector<1x1x16xi32>,
    %get3A_177 = vector.shape_cast %get3A_176 : vector<1x1x16xi32> to vector<16xi32>
    %and3A_178 = arith.constant -1024 : i32
    %and3A_179 = vector.broadcast %and3A_178 : i32 to vector<16xi32>
    %and3A_180 = arith.andi %get3A_177, %and3A_179 : vector<16xi32>
    %and3A_181 = arith.constant 127 : i32
    %and3A_182 = vector.broadcast %and3A_181 : i32 to vector<16xi32>
    %and3A_183 = arith.andi %get3A_177, %and3A_182 : vector<16xi32>
    %shift_left3A_184 = arith.constant 3 : i32
    %shift_left3A_185 = vector.broadcast %shift_left3A_184 : i32 to vector<16xi32>
    %shift_left3A_186 = arith.shli %and3A_183, %shift_left3A_185 : vector<16xi32>
    %or3A_187 = arith.ori %and3A_180, %shift_left3A_186 : vector<16xi32>
    %shift_right_arithmetic3A_188 = arith.constant 7 : i32
    %shift_right_arithmetic3A_189 = vector.broadcast %shift_right_arithmetic3A_188 : i32 to vector<16xi32>
    %shift_right_arithmetic3A_190 = arith.shrsi %get3A_177, %shift_right_arithmetic3A_189 : vector<16xi32>
    %and3A_191 = arith.constant 7 : i32
    %and3A_192 = vector.broadcast %and3A_191 : i32 to vector<16xi32>
    %and3A_193 = arith.andi %shift_right_arithmetic3A_190, %and3A_192 : vector<16xi32>
    %or3A_194 = arith.ori %or3A_187, %and3A_193 : vector<16xi32>
    %swap3A_195 = arith.constant 0 : i32
    %swap3A_196 = arith.constant 0 : i32
    %swap3A_197 = arith.index_cast %swap3A_195 : i32 to index
    %swap3A_198 = arith.index_cast %swap3A_196 : i32 to index
    %swap3A_199 = arith.constant 80 : index
    %swap3A_200 = tpu.vector_load %arg5[%swap3A_197, %swap3A_198, %swap3A_199] {strides = array<i32>} : memref<80x2x128xi32, #tpu.memory_space<vmem>>, vector<1x1x16xi32>,
    %swap3A_201 = vector.shape_cast %swap3A_200 : vector<1x1x16xi32> to vector<16xi32>
    %swap3A_202 = vector.shape_cast %or3A_194 : vector<16xi32> to vector<1x1x16xi32>
    tpu.vector_store %arg5[%swap3A_197, %swap3A_198, %swap3A_199], %swap3A_202 {strides = array<i32>} : memref<80x2x128xi32, #tpu.memory_space<vmem>>, vector<1x1x16xi32>,
    %get3A_203 = arith.constant 0 : i32
    %get3A_204 = arith.constant 0 : i32
    %get3A_205 = arith.index_cast %get3A_203 : i32 to index
    %get3A_206 = arith.index_cast %get3A_204 : i32 to index
    %get3A_207 = arith.constant 96 : index
    %get3A_208 = tpu.vector_load %arg5[%get3A_205, %get3A_206, %get3A_207] {strides = array<i32>} : memref<80x2x128xi32, #tpu.memory_space<vmem>>, vector<1x1x16xi32>,
    %get3A_209 = vector.shape_cast %get3A_208 : vector<1x1x16xi32> to vector<16xi32>
    %and3A_210 = arith.constant -1024 : i32
    %and3A_211 = vector.broadcast %and3A_210 : i32 to vector<16xi32>
    %and3A_212 = arith.andi %get3A_209, %and3A_211 : vector<16xi32>
    %and3A_213 = arith.constant 127 : i32
    %and3A_214 = vector.broadcast %and3A_213 : i32 to vector<16xi32>
    %and3A_215 = arith.andi %get3A_209, %and3A_214 : vector<16xi32>
    %shift_left3A_216 = arith.constant 3 : i32
    %shift_left3A_217 = vector.broadcast %shift_left3A_216 : i32 to vector<16xi32>
    %shift_left3A_218 = arith.shli %and3A_215, %shift_left3A_217 : vector<16xi32>
    %or3A_219 = arith.ori %and3A_212, %shift_left3A_218 : vector<16xi32>
    %shift_right_arithmetic3A_220 = arith.constant 7 : i32
    %shift_right_arithmetic3A_221 = vector.broadcast %shift_right_arithmetic3A_220 : i32 to vector<16xi32>
    %shift_right_arithmetic3A_222 = arith.shrsi %get3A_209, %shift_right_arithmetic3A_221 : vector<16xi32>
    %and3A_223 = arith.constant 7 : i32
    %and3A_224 = vector.broadcast %and3A_223 : i32 to vector<16xi32>
    %and3A_225 = arith.andi %shift_right_arithmetic3A_222, %and3A_224 : vector<16xi32>
    %or3A_226 = arith.ori %or3A_219, %and3A_225 : vector<16xi32>
    %swap3A_227 = arith.constant 0 : i32
    %swap3A_228 = arith.constant 0 : i32
    %swap3A_229 = arith.index_cast %swap3A_227 : i32 to index
    %swap3A_230 = arith.index_cast %swap3A_228 : i32 to index
    %swap3A_231 = arith.constant 96 : index
    %swap3A_232 = tpu.vector_load %arg5[%swap3A_229, %swap3A_230, %swap3A_231] {strides = array<i32>} : memref<80x2x128xi32, #tpu.memory_space<vmem>>, vector<1x1x16xi32>,
    %swap3A_233 = vector.shape_cast %swap3A_232 : vector<1x1x16xi32> to vector<16xi32>
    %swap3A_234 = vector.shape_cast %or3A_226 : vector<16xi32> to vector<1x1x16xi32>
    tpu.vector_store %arg5[%swap3A_229, %swap3A_230, %swap3A_231], %swap3A_234 {strides = array<i32>} : memref<80x2x128xi32, #tpu.memory_space<vmem>>, vector<1x1x16xi32>,
    %get3A_235 = arith.constant 0 : i32
    %get3A_236 = arith.constant 0 : i32
    %get3A_237 = arith.index_cast %get3A_235 : i32 to index
    %get3A_238 = arith.index_cast %get3A_236 : i32 to index
    %get3A_239 = arith.constant 112 : index
    %get3A_240 = tpu.vector_load %arg5[%get3A_237, %get3A_238, %get3A_239] {strides = array<i32>} : memref<80x2x128xi32, #tpu.memory_space<vmem>>, vector<1x1x16xi32>,
    %get3A_241 = vector.shape_cast %get3A_240 : vector<1x1x16xi32> to vector<16xi32>
    %and3A_242 = arith.constant -1024 : i32
    %and3A_243 = vector.broadcast %and3A_242 : i32 to vector<16xi32>
    %and3A_244 = arith.andi %get3A_241, %and3A_243 : vector<16xi32>
    %and3A_245 = arith.constant 127 : i32
    %and3A_246 = vector.broadcast %and3A_245 : i32 to vector<16xi32>
    %and3A_247 = arith.andi %get3A_241, %and3A_246 : vector<16xi32>
    %shift_left3A_248 = arith.constant 3 : i32
    %shift_left3A_249 = vector.broadcast %shift_left3A_248 : i32 to vector<16xi32>
    %shift_left3A_250 = arith.shli %and3A_247, %shift_left3A_249 : vector<16xi32>
    %or3A_251 = arith.ori %and3A_244, %shift_left3A_250 : vector<16xi32>
    %shift_right_arithmetic3A_252 = arith.constant 7 : i32
    %shift_right_arithmetic3A_253 = vector.broadcast %shift_right_arithmetic3A_252 : i32 to vector<16xi32>
    %shift_right_arithmetic3A_254 = arith.shrsi %get3A_241, %shift_right_arithmetic3A_253 : vector<16xi32>
    %and3A_255 = arith.constant 7 : i32
    %and3A_256 = vector.broadcast %and3A_255 : i32 to vector<16xi32>
    %and3A_257 = arith.andi %shift_right_arithmetic3A_254, %and3A_256 : vector<16xi32>
    %or3A_258 = arith.ori %or3A_251, %and3A_257 : vector<16xi32>
    %swap3A_259 = arith.constant 0 : i32
    %swap3A_260 = arith.constant 0 : i32
    %swap3A_261 = arith.index_cast %swap3A_259 : i32 to index
    %swap3A_262 = arith.index_cast %swap3A_260 : i32 to index
    %swap3A_263 = arith.constant 112 : index
    %swap3A_264 = tpu.vector_load %arg5[%swap3A_261, %swap3A_262, %swap3A_263] {strides = array<i32>} : memref<80x2x128xi32, #tpu.memory_space<vmem>>, vector<1x1x16xi32>,
    %swap3A_265 = vector.shape_cast %swap3A_264 : vector<1x1x16xi32> to vector<16xi32>
    %swap3A_266 = vector.shape_cast %or3A_258 : vector<16xi32> to vector<1x1x16xi32>
    tpu.vector_store %arg5[%swap3A_261, %swap3A_262, %swap3A_263], %swap3A_266 {strides = array<i32>} : memref<80x2x128xi32, #tpu.memory_space<vmem>>, vector<1x1x16xi32>,
    %get3A_267 = arith.constant 0 : i32
    %get3A_268 = arith.constant 1 : i32
    %get3A_269 = arith.index_cast %get3A_267 : i32 to index
    %get3A_270 = arith.index_cast %get3A_268 : i32 to index
    %get3A_271 = arith.constant 0 : index
    %get3A_272 = tpu.vector_load %arg5[%get3A_269, %get3A_270, %get3A_271] {strides = array<i32>} : memref<80x2x128xi32, #tpu.memory_space<vmem>>, vector<1x1x16xi32>,
    %get3A_273 = vector.shape_cast %get3A_272 : vector<1x1x16xi32> to vector<16xi32>
    %and3A_274 = arith.constant -1024 : i32
    %and3A_275 = vector.broadcast %and3A_274 : i32 to vector<16xi32>
    %and3A_276 = arith.andi %get3A_273, %and3A_275 : vector<16xi32>
    %and3A_277 = arith.constant 127 : i32
    %and3A_278 = vector.broadcast %and3A_277 : i32 to vector<16xi32>
    %and3A_279 = arith.andi %get3A_273, %and3A_278 : vector<16xi32>
    %shift_left3A_280 = arith.constant 3 : i32
    %shift_left3A_281 = vector.broadcast %shift_left3A_280 : i32 to vector<16xi32>
    %shift_left3A_282 = arith.shli %and3A_279, %shift_left3A_281 : vector<16xi32>
    %or3A_283 = arith.ori %and3A_276, %shift_left3A_282 : vector<16xi32>
    %shift_right_arithmetic3A_284 = arith.constant 7 : i32
    %shift_right_arithmetic3A_285 = vector.broadcast %shift_right_arithmetic3A_284 : i32 to vector<16xi32>
    %shift_right_arithmetic3A_286 = arith.shrsi %get3A_273, %shift_right_arithmetic3A_285 : vector<16xi32>
    %and3A_287 = arith.constant 7 : i32
    %and3A_288 = vector.broadcast %and3A_287 : i32 to vector<16xi32>
    %and3A_289 = arith.andi %shift_right_arithmetic3A_286, %and3A_288 : vector<16xi32>
    %or3A_290 = arith.ori %or3A_283, %and3A_289 : vector<16xi32>
    %swap3A_291 = arith.constant 0 : i32
    %swap3A_292 = arith.constant 1 : i32
    %swap3A_293 = arith.index_cast %swap3A_291 : i32 to index
    %swap3A_294 = arith.index_cast %swap3A_292 : i32 to index
    %swap3A_295 = arith.constant 0 : index
    %swap3A_296 = tpu.vector_load %arg5[%swap3A_293, %swap3A_294, %swap3A_295] {strides = array<i32>} : memref<80x2x128xi32, #tpu.memory_space<vmem>>, vector<1x1x16xi32>,
    %swap3A_297 = vector.shape_cast %swap3A_296 : vector<1x1x16xi32> to vector<16xi32>
    %swap3A_298 = vector.shape_cast %or3A_290 : vector<16xi32> to vector<1x1x16xi32>
    tpu.vector_store %arg5[%swap3A_293, %swap3A_294, %swap3A_295], %swap3A_298 {strides = array<i32>} : memref<80x2x128xi32, #tpu.memory_space<vmem>>, vector<1x1x16xi32>,
    %get3A_299 = arith.constant 0 : i32
    %get3A_300 = arith.constant 1 : i32
    %get3A_301 = arith.index_cast %get3A_299 : i32 to index
    %get3A_302 = arith.index_cast %get3A_300 : i32 to index
    %get3A_303 = arith.constant 16 : index
    %get3A_304 = tpu.vector_load %arg5[%get3A_301, %get3A_302, %get3A_303] {strides = array<i32>} : memref<80x2x128xi32, #tpu.memory_space<vmem>>, vector<1x1x16xi32>,
    %get3A_305 = vector.shape_cast %get3A_304 : vector<1x1x16xi32> to vector<16xi32>
    %and3A_306 = arith.constant -1024 : i32
    %and3A_307 = vector.broadcast %and3A_306 : i32 to vector<16xi32>
    %and3A_308 = arith.andi %get3A_305, %and3A_307 : vector<16xi32>
    %and3A_309 = arith.constant 127 : i32
    %and3A_310 = vector.broadcast %and3A_309 : i32 to vector<16xi32>
    %and3A_311 = arith.andi %get3A_305, %and3A_310 : vector<16xi32>
    %shift_left3A_312 = arith.constant 3 : i32
    %shift_left3A_313 = vector.broadcast %shift_left3A_312 : i32 to vector<16xi32>
    %shift_left3A_314 = arith.shli %and3A_311, %shift_left3A_313 : vector<16xi32>
    %or3A_315 = arith.ori %and3A_308, %shift_left3A_314 : vector<16xi32>
    %shift_right_arithmetic3A_316 = arith.constant 7 : i32
    %shift_right_arithmetic3A_317 = vector.broadcast %shift_right_arithmetic3A_316 : i32 to vector<16xi32>
    %shift_right_arithmetic3A_318 = arith.shrsi %get3A_305, %shift_right_arithmetic3A_317 : vector<16xi32>
    %and3A_319 = arith.constant 7 : i32
    %and3A_320 = vector.broadcast %and3A_319 : i32 to vector<16xi32>
    %and3A_321 = arith.andi %shift_right_arithmetic3A_318, %and3A_320 : vector<16xi32>
    %or3A_322 = arith.ori %or3A_315, %and3A_321 : vector<16xi32>
    %swap3A_323 = arith.constant 0 : i32
    %swap3A_324 = arith.constant 1 : i32
    %swap3A_325 = arith.index_cast %swap3A_323 : i32 to index
    %swap3A_326 = arith.index_cast %swap3A_324 : i32 to index
    %swap3A_327 = arith.constant 16 : index
    %swap3A_328 = tpu.vector_load %arg5[%swap3A_325, %swap3A_326, %swap3A_327] {strides = array<i32>} : memref<80x2x128xi32, #tpu.memory_space<vmem>>, vector<1x1x16xi32>,
    %swap3A_329 = vector.shape_cast %swap3A_328 : vector<1x1x16xi32> to vector<16xi32>
    %swap3A_330 = vector.shape_cast %or3A_322 : vector<16xi32> to vector<1x1x16xi32>
    tpu.vector_store %arg5[%swap3A_325, %swap3A_326, %swap3A_327], %swap3A_330 {strides = array<i32>} : memref<80x2x128xi32, #tpu.memory_space<vmem>>, vector<1x1x16xi32>,
    %get3A_331 = arith.constant 0 : i32
    %get3A_332 = arith.constant 1 : i32
    %get3A_333 = arith.index_cast %get3A_331 : i32 to index
    %get3A_334 = arith.index_cast %get3A_332 : i32 to index
    %get3A_335 = arith.constant 32 : index
    %get3A_336 = tpu.vector_load %arg5[%get3A_333, %get3A_334, %get3A_335] {strides = array<i32>} : memref<80x2x128xi32, #tpu.memory_space<vmem>>, vector<1x1x16xi32>,
    %get3A_337 = vector.shape_cast %get3A_336 : vector<1x1x16xi32> to vector<16xi32>
    %and3A_338 = arith.constant -1024 : i32
    %and3A_339 = vector.broadcast %and3A_338 : i32 to vector<16xi32>
    %and3A_340 = arith.andi %get3A_337, %and3A_339 : vector<16xi32>
    %and3A_341 = arith.constant 127 : i32
    %and3A_342 = vector.broadcast %and3A_341 : i32 to vector<16xi32>
    %and3A_343 = arith.andi %get3A_337, %and3A_342 : vector<16xi32>
    %shift_left3A_344 = arith.constant 3 : i32
    %shift_left3A_345 = vector.broadcast %shift_left3A_344 : i32 to vector<16xi32>
    %shift_left3A_346 = arith.shli %and3A_343, %shift_left3A_345 : vector<16xi32>
    %or3A_347 = arith.ori %and3A_340, %shift_left3A_346 : vector<16xi32>
    %shift_right_arithmetic3A_348 = arith.constant 7 : i32
    %shift_right_arithmetic3A_349 = vector.broadcast %shift_right_arithmetic3A_348 : i32 to vector<16xi32>
    %shift_right_arithmetic3A_350 = arith.shrsi %get3A_337, %shift_right_arithmetic3A_349 : vector<16xi32>
    %and3A_351 = arith.constant 7 : i32
    %and3A_352 = vector.broadcast %and3A_351 : i32 to vector<16xi32>
    %and3A_353 = arith.andi %shift_right_arithmetic3A_350, %and3A_352 : vector<16xi32>
    %or3A_354 = arith.ori %or3A_347, %and3A_353 : vector<16xi32>
    %swap3A_355 = arith.constant 0 : i32
    %swap3A_356 = arith.constant 1 : i32
    %swap3A_357 = arith.index_cast %swap3A_355 : i32 to index
    %swap3A_358 = arith.index_cast %swap3A_356 : i32 to index
    %swap3A_359 = arith.constant 32 : index
    %swap3A_360 = tpu.vector_load %arg5[%swap3A_357, %swap3A_358, %swap3A_359] {strides = array<i32>} : memref<80x2x128xi32, #tpu.memory_space<vmem>>, vector<1x1x16xi32>,
    %swap3A_361 = vector.shape_cast %swap3A_360 : vector<1x1x16xi32> to vector<16xi32>
    %swap3A_362 = vector.shape_cast %or3A_354 : vector<16xi32> to vector<1x1x16xi32>
    tpu.vector_store %arg5[%swap3A_357, %swap3A_358, %swap3A_359], %swap3A_362 {strides = array<i32>} : memref<80x2x128xi32, #tpu.memory_space<vmem>>, vector<1x1x16xi32>,
    %get3A_363 = arith.constant 0 : i32
    %get3A_364 = arith.constant 1 : i32
    %get3A_365 = arith.index_cast %get3A_363 : i32 to index
    %get3A_366 = arith.index_cast %get3A_364 : i32 to index
    %get3A_367 = arith.constant 48 : index
    %get3A_368 = tpu.vector_load %arg5[%get3A_365, %get3A_366, %get3A_367] {strides = array<i32>} : memref<80x2x128xi32, #tpu.memory_space<vmem>>, vector<1x1x16xi32>,
    %get3A_369 = vector.shape_cast %get3A_368 : vector<1x1x16xi32> to vector<16xi32>
    %and3A_370 = arith.constant -1024 : i32
    %and3A_371 = vector.broadcast %and3A_370 : i32 to vector<16xi32>
    %and3A_372 = arith.andi %get3A_369, %and3A_371 : vector<16xi32>
    %and3A_373 = arith.constant 127 : i32
    %and3A_374 = vector.broadcast %and3A_373 : i32 to vector<16xi32>
    %and3A_375 = arith.andi %get3A_369, %and3A_374 : vector<16xi32>
    %shift_left3A_376 = arith.constant 3 : i32
    %shift_left3A_377 = vector.broadcast %shift_left3A_376 : i32 to vector<16xi32>
    %shift_left3A_378 = arith.shli %and3A_375, %shift_left3A_377 : vector<16xi32>
    %or3A_379 = arith.ori %and3A_372, %shift_left3A_378 : vector<16xi32>
    %shift_right_arithmetic3A_380 = arith.constant 7 : i32
    %shift_right_arithmetic3A_381 = vector.broadcast %shift_right_arithmetic3A_380 : i32 to vector<16xi32>
    %shift_right_arithmetic3A_382 = arith.shrsi %get3A_369, %shift_right_arithmetic3A_381 : vector<16xi32>
    %and3A_383 = arith.constant 7 : i32
    %and3A_384 = vector.broadcast %and3A_383 : i32 to vector<16xi32>
    %and3A_385 = arith.andi %shift_right_arithmetic3A_382, %and3A_384 : vector<16xi32>
    %or3A_386 = arith.ori %or3A_379, %and3A_385 : vector<16xi32>
    %swap3A_387 = arith.constant 0 : i32
    %swap3A_388 = arith.constant 1 : i32
    %swap3A_389 = arith.index_cast %swap3A_387 : i32 to index
    %swap3A_390 = arith.index_cast %swap3A_388 : i32 to index
    %swap3A_391 = arith.constant 48 : index
    %swap3A_392 = tpu.vector_load %arg5[%swap3A_389, %swap3A_390, %swap3A_391] {strides = array<i32>} : memref<80x2x128xi32, #tpu.memory_space<vmem>>, vector<1x1x16xi32>,
    %swap3A_393 = vector.shape_cast %swap3A_392 : vector<1x1x16xi32> to vector<16xi32>
    %swap3A_394 = vector.shape_cast %or3A_386 : vector<16xi32> to vector<1x1x16xi32>
    tpu.vector_store %arg5[%swap3A_389, %swap3A_390, %swap3A_391], %swap3A_394 {strides = array<i32>} : memref<80x2x128xi32, #tpu.memory_space<vmem>>, vector<1x1x16xi32>,
    %get3A_395 = arith.constant 0 : i32
    %get3A_396 = arith.constant 1 : i32
    %get3A_397 = arith.index_cast %get3A_395 : i32 to index
    %get3A_398 = arith.index_cast %get3A_396 : i32 to index
    %get3A_399 = arith.constant 64 : index
    %get3A_400 = tpu.vector_load %arg5[%get3A_397, %get3A_398, %get3A_399] {strides = array<i32>} : memref<80x2x128xi32, #tpu.memory_space<vmem>>, vector<1x1x16xi32>,
    %get3A_401 = vector.shape_cast %get3A_400 : vector<1x1x16xi32> to vector<16xi32>
    %and3A_402 = arith.constant -1024 : i32
    %and3A_403 = vector.broadcast %and3A_402 : i32 to vector<16xi32>
    %and3A_404 = arith.andi %get3A_401, %and3A_403 : vector<16xi32>
    %and3A_405 = arith.constant 127 : i32
    %and3A_406 = vector.broadcast %and3A_405 : i32 to vector<16xi32>
    %and3A_407 = arith.andi %get3A_401, %and3A_406 : vector<16xi32>
    %shift_left3A_408 = arith.constant 3 : i32
    %shift_left3A_409 = vector.broadcast %shift_left3A_408 : i32 to vector<16xi32>
    %shift_left3A_410 = arith.shli %and3A_407, %shift_left3A_409 : vector<16xi32>
    %or3A_411 = arith.ori %and3A_404, %shift_left3A_410 : vector<16xi32>
    %shift_right_arithmetic3A_412 = arith.constant 7 : i32
    %shift_right_arithmetic3A_413 = vector.broadcast %shift_right_arithmetic3A_412 : i32 to vector<16xi32>
    %shift_right_arithmetic3A_414 = arith.shrsi %get3A_401, %shift_right_arithmetic3A_413 : vector<16xi32>
    %and3A_415 = arith.constant 7 : i32
    %and3A_416 = vector.broadcast %and3A_415 : i32 to vector<16xi32>
    %and3A_417 = arith.andi %shift_right_arithmetic3A_414, %and3A_416 : vector<16xi32>
    %or3A_418 = arith.ori %or3A_411, %and3A_417 : vector<16xi32>
    %swap3A_419 = arith.constant 0 : i32
    %swap3A_420 = arith.constant 1 : i32
    %swap3A_421 = arith.index_cast %swap3A_419 : i32 to index
    %swap3A_422 = arith.index_cast %swap3A_420 : i32 to index
    %swap3A_423 = arith.constant 64 : index
    %swap3A_424 = tpu.vector_load %arg5[%swap3A_421, %swap3A_422, %swap3A_423] {strides = array<i32>} : memref<80x2x128xi32, #tpu.memory_space<vmem>>, vector<1x1x16xi32>,
    %swap3A_425 = vector.shape_cast %swap3A_424 : vector<1x1x16xi32> to vector<16xi32>
    %swap3A_426 = vector.shape_cast %or3A_418 : vector<16xi32> to vector<1x1x16xi32>
    tpu.vector_store %arg5[%swap3A_421, %swap3A_422, %swap3A_423], %swap3A_426 {strides = array<i32>} : memref<80x2x128xi32, #tpu.memory_space<vmem>>, vector<1x1x16xi32>,
    %get3A_427 = arith.constant 0 : i32
    %get3A_428 = arith.constant 1 : i32
    %get3A_429 = arith.index_cast %get3A_427 : i32 to index
    %get3A_430 = arith.index_cast %get3A_428 : i32 to index
    %get3A_431 = arith.constant 80 : index
    %get3A_432 = tpu.vector_load %arg5[%get3A_429, %get3A_430, %get3A_431] {strides = array<i32>} : memref<80x2x128xi32, #tpu.memory_space<vmem>>, vector<1x1x16xi32>,
    %get3A_433 = vector.shape_cast %get3A_432 : vector<1x1x16xi32> to vector<16xi32>
    %and3A_434 = arith.constant -1024 : i32
    %and3A_435 = vector.broadcast %and3A_434 : i32 to vector<16xi32>
    %and3A_436 = arith.andi %get3A_433, %and3A_435 : vector<16xi32>
    %and3A_437 = arith.constant 127 : i32
    %and3A_438 = vector.broadcast %and3A_437 : i32 to vector<16xi32>
    %and3A_439 = arith.andi %get3A_433, %and3A_438 : vector<16xi32>
    %shift_left3A_440 = arith.constant 3 : i32
    %shift_left3A_441 = vector.broadcast %shift_left3A_440 : i32 to vector<16xi32>
    %shift_left3A_442 = arith.shli %and3A_439, %shift_left3A_441 : vector<16xi32>
    %or3A_443 = arith.ori %and3A_436, %shift_left3A_442 : vector<16xi32>
    %shift_right_arithmetic3A_444 = arith.constant 7 : i32
    %shift_right_arithmetic3A_445 = vector.broadcast %shift_right_arithmetic3A_444 : i32 to vector<16xi32>
    %shift_right_arithmetic3A_446 = arith.shrsi %get3A_433, %shift_right_arithmetic3A_445 : vector<16xi32>
    %and3A_447 = arith.constant 7 : i32
    %and3A_448 = vector.broadcast %and3A_447 : i32 to vector<16xi32>
    %and3A_449 = arith.andi %shift_right_arithmetic3A_446, %and3A_448 : vector<16xi32>
    %or3A_450 = arith.ori %or3A_443, %and3A_449 : vector<16xi32>
    %swap3A_451 = arith.constant 0 : i32
    %swap3A_452 = arith.constant 1 : i32
    %swap3A_453 = arith.index_cast %swap3A_451 : i32 to index
    %swap3A_454 = arith.index_cast %swap3A_452 : i32 to index
    %swap3A_455 = arith.constant 80 : index
    %swap3A_456 = tpu.vector_load %arg5[%swap3A_453, %swap3A_454, %swap3A_455] {strides = array<i32>} : memref<80x2x128xi32, #tpu.memory_space<vmem>>, vector<1x1x16xi32>,
    %swap3A_457 = vector.shape_cast %swap3A_456 : vector<1x1x16xi32> to vector<16xi32>
    %swap3A_458 = vector.shape_cast %or3A_450 : vector<16xi32> to vector<1x1x16xi32>
    tpu.vector_store %arg5[%swap3A_453, %swap3A_454, %swap3A_455], %swap3A_458 {strides = array<i32>} : memref<80x2x128xi32, #tpu.memory_space<vmem>>, vector<1x1x16xi32>,
    %get3A_459 = arith.constant 0 : i32
    %get3A_460 = arith.constant 1 : i32
    %get3A_461 = arith.index_cast %get3A_459 : i32 to index
    %get3A_462 = arith.index_cast %get3A_460 : i32 to index
    %get3A_463 = arith.constant 96 : index
    %get3A_464 = tpu.vector_load %arg5[%get3A_461, %get3A_462, %get3A_463] {strides = array<i32>} : memref<80x2x128xi32, #tpu.memory_space<vmem>>, vector<1x1x16xi32>,
    %get3A_465 = vector.shape_cast %get3A_464 : vector<1x1x16xi32> to vector<16xi32>
    %and3A_466 = arith.constant -1024 : i32
    %and3A_467 = vector.broadcast %and3A_466 : i32 to vector<16xi32>
    %and3A_468 = arith.andi %get3A_465, %and3A_467 : vector<16xi32>
    %and3A_469 = arith.constant 127 : i32
    %and3A_470 = vector.broadcast %and3A_469 : i32 to vector<16xi32>
    %and3A_471 = arith.andi %get3A_465, %and3A_470 : vector<16xi32>
    %shift_left3A_472 = arith.constant 3 : i32
    %shift_left3A_473 = vector.broadcast %shift_left3A_472 : i32 to vector<16xi32>
    %shift_left3A_474 = arith.shli %and3A_471, %shift_left3A_473 : vector<16xi32>
    %or3A_475 = arith.ori %and3A_468, %shift_left3A_474 : vector<16xi32>
    %shift_right_arithmetic3A_476 = arith.constant 7 : i32
    %shift_right_arithmetic3A_477 = vector.broadcast %shift_right_arithmetic3A_476 : i32 to vector<16xi32>
    %shift_right_arithmetic3A_478 = arith.shrsi %get3A_465, %shift_right_arithmetic3A_477 : vector<16xi32>
    %and3A_479 = arith.constant 7 : i32
    %and3A_480 = vector.broadcast %and3A_479 : i32 to vector<16xi32>
    %and3A_481 = arith.andi %shift_right_arithmetic3A_478, %and3A_480 : vector<16xi32>
    %or3A_482 = arith.ori %or3A_475, %and3A_481 : vector<16xi32>
    %swap3A_483 = arith.constant 0 : i32
    %swap3A_484 = arith.constant 1 : i32
    %swap3A_485 = arith.index_cast %swap3A_483 : i32 to index
    %swap3A_486 = arith.index_cast %swap3A_484 : i32 to index
    %swap3A_487 = arith.constant 96 : index
    %swap3A_488 = tpu.vector_load %arg5[%swap3A_485, %swap3A_486, %swap3A_487] {strides = array<i32>} : memref<80x2x128xi32, #tpu.memory_space<vmem>>, vector<1x1x16xi32>,
    %swap3A_489 = vector.shape_cast %swap3A_488 : vector<1x1x16xi32> to vector<16xi32>
    %swap3A_490 = vector.shape_cast %or3A_482 : vector<16xi32> to vector<1x1x16xi32>
    tpu.vector_store %arg5[%swap3A_485, %swap3A_486, %swap3A_487], %swap3A_490 {strides = array<i32>} : memref<80x2x128xi32, #tpu.memory_space<vmem>>, vector<1x1x16xi32>,
    %get3A_491 = arith.constant 0 : i32
    %get3A_492 = arith.constant 1 : i32
    %get3A_493 = arith.index_cast %get3A_491 : i32 to index
    %get3A_494 = arith.index_cast %get3A_492 : i32 to index
    %get3A_495 = arith.constant 112 : index
    %get3A_496 = tpu.vector_load %arg5[%get3A_493, %get3A_494, %get3A_495] {strides = array<i32>} : memref<80x2x128xi32, #tpu.memory_space<vmem>>, vector<1x1x16xi32>,
    %get3A_497 = vector.shape_cast %get3A_496 : vector<1x1x16xi32> to vector<16xi32>
    %and3A_498 = arith.constant -1024 : i32
    %and3A_499 = vector.broadcast %and3A_498 : i32 to vector<16xi32>
    %and3A_500 = arith.andi %get3A_497, %and3A_499 : vector<16xi32>
    %and3A_501 = arith.constant 127 : i32
    %and3A_502 = vector.broadcast %and3A_501 : i32 to vector<16xi32>
    %and3A_503 = arith.andi %get3A_497, %and3A_502 : vector<16xi32>
    %shift_left3A_504 = arith.constant 3 : i32
    %shift_left3A_505 = vector.broadcast %shift_left3A_504 : i32 to vector<16xi32>
    %shift_left3A_506 = arith.shli %and3A_503, %shift_left3A_505 : vector<16xi32>
    %or3A_507 = arith.ori %and3A_500, %shift_left3A_506 : vector<16xi32>
    %shift_right_arithmetic3A_508 = arith.constant 7 : i32
    %shift_right_arithmetic3A_509 = vector.broadcast %shift_right_arithmetic3A_508 : i32 to vector<16xi32>
    %shift_right_arithmetic3A_510 = arith.shrsi %get3A_497, %shift_right_arithmetic3A_509 : vector<16xi32>
    %and3A_511 = arith.constant 7 : i32
    %and3A_512 = vector.broadcast %and3A_511 : i32 to vector<16xi32>
    %and3A_513 = arith.andi %shift_right_arithmetic3A_510, %and3A_512 : vector<16xi32>
    %or3A_514 = arith.ori %or3A_507, %and3A_513 : vector<16xi32>
    %swap3A_515 = arith.constant 0 : i32
    %swap3A_516 = arith.constant 1 : i32
    %swap3A_517 = arith.index_cast %swap3A_515 : i32 to index
    %swap3A_518 = arith.index_cast %swap3A_516 : i32 to index
    %swap3A_519 = arith.constant 112 : index
    %swap3A_520 = tpu.vector_load %arg5[%swap3A_517, %swap3A_518, %swap3A_519] {strides = array<i32>} : memref<80x2x128xi32, #tpu.memory_space<vmem>>, vector<1x1x16xi32>,
    %swap3A_521 = vector.shape_cast %swap3A_520 : vector<1x1x16xi32> to vector<16xi32>
    %swap3A_522 = vector.shape_cast %or3A_514 : vector<16xi32> to vector<1x1x16xi32>
    tpu.vector_store %arg5[%swap3A_517, %swap3A_518, %swap3A_519], %swap3A_522 {strides = array<i32>} : memref<80x2x128xi32, #tpu.memory_space<vmem>>, vector<1x1x16xi32>,
    %while3A = arith.constant 0 : i32
    %while3A_523 = arith.constant 0 : i32
    %while3A_524 = arith.subi %add3A_16, %while3A_523 : i32
    %while3A_525 = arith.addi %while3A_523, %while3A_524 : i32
    %while3A_526 = arith.constant 1 : i32
    %while3A_527 = arith.divsi %while3A_524, %while3A_526 : i32
    %while3A_528 = arith.muli %while3A_527, %while3A_526 : i32
    %while3A_529 = arith.addi %while3A_523, %while3A_528 : i32
    %while3A_530 = arith.constant 1 : i32
    scf.for %while3A_540 = %while3A_523 to %while3A_529 step %while3A_530  : i32 {
      %dma_start3A = arith.constant 0 : i32
      %dma_start3A_541 = arith.constant 0 : i32
      %dma_start3A_542 = tpu.memref_slice %arg5[%while3A_540, %dma_start3A, %dma_start3A_541] : memref<80x2x128xi32, #tpu.memory_space<vmem>> -> memref<1x1x128xi32, #tpu.memory_space<vmem>>
      %dma_start3A_543 = tpu.memref_squeeze %dma_start3A_542 : memref<1x1x128xi32, #tpu.memory_space<vmem>> -> memref<128xi32, #tpu.memory_space<vmem>>
      %dma_start3A_544 = arith.constant 0 : i32
      %dma_start3A_545 = arith.constant 0 : i32
      %dma_start3A_546 = tpu.memref_slice %arg2[%dma_start3A_544, %dma_start3A_545] : memref<10240x16xf32, #tpu.memory_space<hbm>> -> memref<10240x16xf32, #tpu.memory_space<hbm>>
      tpu.enqueue_indirect_dma source(%dma_start3A_546 : memref<10240x16xf32, #tpu.memory_space<hbm>>) target(%arg6 : memref<128x16xf32, #tpu.memory_space<vmem>>) offsets(%dma_start3A_543 : memref<128xi32, #tpu.memory_space<vmem>>) semaphore(%arg9 : memref<!tpu.dma_semaphore, #tpu.memory_space<semaphore_mem>>)
      %add3A_547 = arith.constant 1 : i32
      %add3A_548 = arith.addi %while3A_540, %add3A_547 : i32
      %get3A_549 = arith.constant 0 : i32
      %get3A_550 = arith.index_cast %add3A_548 : i32 to index
      %get3A_551 = arith.index_cast %get3A_549 : i32 to index
      %get3A_552 = arith.constant 0 : index
      %get3A_553 = tpu.vector_load %arg5[%get3A_550, %get3A_551, %get3A_552] {strides = array<i32>} : memref<80x2x128xi32, #tpu.memory_space<vmem>>, vector<1x1x16xi32>,
      %get3A_554 = vector.shape_cast %get3A_553 : vector<1x1x16xi32> to vector<16xi32>
      %and3A_555 = arith.constant -1024 : i32
      %and3A_556 = vector.broadcast %and3A_555 : i32 to vector<16xi32>
      %and3A_557 = arith.andi %get3A_554, %and3A_556 : vector<16xi32>
      %and3A_558 = arith.constant 127 : i32
      %and3A_559 = vector.broadcast %and3A_558 : i32 to vector<16xi32>
      %and3A_560 = arith.andi %get3A_554, %and3A_559 : vector<16xi32>
      %shift_left3A_561 = arith.constant 3 : i32
      %shift_left3A_562 = vector.broadcast %shift_left3A_561 : i32 to vector<16xi32>
      %shift_left3A_563 = arith.shli %and3A_560, %shift_left3A_562 : vector<16xi32>
      %or3A_564 = arith.ori %and3A_557, %shift_left3A_563 : vector<16xi32>
      %shift_right_arithmetic3A_565 = arith.constant 7 : i32
      %shift_right_arithmetic3A_566 = vector.broadcast %shift_right_arithmetic3A_565 : i32 to vector<16xi32>
      %shift_right_arithmetic3A_567 = arith.shrsi %get3A_554, %shift_right_arithmetic3A_566 : vector<16xi32>
      %and3A_568 = arith.constant 7 : i32
      %and3A_569 = vector.broadcast %and3A_568 : i32 to vector<16xi32>
      %and3A_570 = arith.andi %shift_right_arithmetic3A_567, %and3A_569 : vector<16xi32>
      %or3A_571 = arith.ori %or3A_564, %and3A_570 : vector<16xi32>
      %swap3A_572 = arith.constant 0 : i32
      %swap3A_573 = arith.index_cast %add3A_548 : i32 to index
      %swap3A_574 = arith.index_cast %swap3A_572 : i32 to index
      %swap3A_575 = arith.constant 0 : index
      %swap3A_576 = tpu.vector_load %arg5[%swap3A_573, %swap3A_574, %swap3A_575] {strides = array<i32>} : memref<80x2x128xi32, #tpu.memory_space<vmem>>, vector<1x1x16xi32>,
      %swap3A_577 = vector.shape_cast %swap3A_576 : vector<1x1x16xi32> to vector<16xi32>
      %swap3A_578 = vector.shape_cast %or3A_571 : vector<16xi32> to vector<1x1x16xi32>
      tpu.vector_store %arg5[%swap3A_573, %swap3A_574, %swap3A_575], %swap3A_578 {strides = array<i32>} : memref<80x2x128xi32, #tpu.memory_space<vmem>>, vector<1x1x16xi32>,
      %get3A_579 = arith.constant 0 : i32
      %get3A_580 = arith.index_cast %add3A_548 : i32 to index
      %get3A_581 = arith.index_cast %get3A_579 : i32 to index
      %get3A_582 = arith.constant 16 : index
      %get3A_583 = tpu.vector_load %arg5[%get3A_580, %get3A_581, %get3A_582] {strides = array<i32>} : memref<80x2x128xi32, #tpu.memory_space<vmem>>, vector<1x1x16xi32>,
      %get3A_584 = vector.shape_cast %get3A_583 : vector<1x1x16xi32> to vector<16xi32>
      %and3A_585 = arith.constant -1024 : i32
      %and3A_586 = vector.broadcast %and3A_585 : i32 to vector<16xi32>
      %and3A_587 = arith.andi %get3A_584, %and3A_586 : vector<16xi32>
      %and3A_588 = arith.constant 127 : i32
      %and3A_589 = vector.broadcast %and3A_588 : i32 to vector<16xi32>
      %and3A_590 = arith.andi %get3A_584, %and3A_589 : vector<16xi32>
      %shift_left3A_591 = arith.constant 3 : i32
      %shift_left3A_592 = vector.broadcast %shift_left3A_591 : i32 to vector<16xi32>
      %shift_left3A_593 = arith.shli %and3A_590, %shift_left3A_592 : vector<16xi32>
      %or3A_594 = arith.ori %and3A_587, %shift_left3A_593 : vector<16xi32>
      %shift_right_arithmetic3A_595 = arith.constant 7 : i32
      %shift_right_arithmetic3A_596 = vector.broadcast %shift_right_arithmetic3A_595 : i32 to vector<16xi32>
      %shift_right_arithmetic3A_597 = arith.shrsi %get3A_584, %shift_right_arithmetic3A_596 : vector<16xi32>
      %and3A_598 = arith.constant 7 : i32
      %and3A_599 = vector.broadcast %and3A_598 : i32 to vector<16xi32>
      %and3A_600 = arith.andi %shift_right_arithmetic3A_597, %and3A_599 : vector<16xi32>
      %or3A_601 = arith.ori %or3A_594, %and3A_600 : vector<16xi32>
      %swap3A_602 = arith.constant 0 : i32
      %swap3A_603 = arith.index_cast %add3A_548 : i32 to index
      %swap3A_604 = arith.index_cast %swap3A_602 : i32 to index
      %swap3A_605 = arith.constant 16 : index
      %swap3A_606 = tpu.vector_load %arg5[%swap3A_603, %swap3A_604, %swap3A_605] {strides = array<i32>} : memref<80x2x128xi32, #tpu.memory_space<vmem>>, vector<1x1x16xi32>,
      %swap3A_607 = vector.shape_cast %swap3A_606 : vector<1x1x16xi32> to vector<16xi32>
      %swap3A_608 = vector.shape_cast %or3A_601 : vector<16xi32> to vector<1x1x16xi32>
      tpu.vector_store %arg5[%swap3A_603, %swap3A_604, %swap3A_605], %swap3A_608 {strides = array<i32>} : memref<80x2x128xi32, #tpu.memory_space<vmem>>, vector<1x1x16xi32>,
      %get3A_609 = arith.constant 0 : i32
      %get3A_610 = arith.index_cast %add3A_548 : i32 to index
      %get3A_611 = arith.index_cast %get3A_609 : i32 to index
      %get3A_612 = arith.constant 32 : index
      %get3A_613 = tpu.vector_load %arg5[%get3A_610, %get3A_611, %get3A_612] {strides = array<i32>} : memref<80x2x128xi32, #tpu.memory_space<vmem>>, vector<1x1x16xi32>,
      %get3A_614 = vector.shape_cast %get3A_613 : vector<1x1x16xi32> to vector<16xi32>
      %and3A_615 = arith.constant -1024 : i32
      %and3A_616 = vector.broadcast %and3A_615 : i32 to vector<16xi32>
      %and3A_617 = arith.andi %get3A_614, %and3A_616 : vector<16xi32>
      %and3A_618 = arith.constant 127 : i32
      %and3A_619 = vector.broadcast %and3A_618 : i32 to vector<16xi32>
      %and3A_620 = arith.andi %get3A_614, %and3A_619 : vector<16xi32>
      %shift_left3A_621 = arith.constant 3 : i32
      %shift_left3A_622 = vector.broadcast %shift_left3A_621 : i32 to vector<16xi32>
      %shift_left3A_623 = arith.shli %and3A_620, %shift_left3A_622 : vector<16xi32>
      %or3A_624 = arith.ori %and3A_617, %shift_left3A_623 : vector<16xi32>
      %shift_right_arithmetic3A_625 = arith.constant 7 : i32
      %shift_right_arithmetic3A_626 = vector.broadcast %shift_right_arithmetic3A_625 : i32 to vector<16xi32>
      %shift_right_arithmetic3A_627 = arith.shrsi %get3A_614, %shift_right_arithmetic3A_626 : vector<16xi32>
      %and3A_628 = arith.constant 7 : i32
      %and3A_629 = vector.broadcast %and3A_628 : i32 to vector<16xi32>
      %and3A_630 = arith.andi %shift_right_arithmetic3A_627, %and3A_629 : vector<16xi32>
      %or3A_631 = arith.ori %or3A_624, %and3A_630 : vector<16xi32>
      %swap3A_632 = arith.constant 0 : i32
      %swap3A_633 = arith.index_cast %add3A_548 : i32 to index
      %swap3A_634 = arith.index_cast %swap3A_632 : i32 to index
      %swap3A_635 = arith.constant 32 : index
      %swap3A_636 = tpu.vector_load %arg5[%swap3A_633, %swap3A_634, %swap3A_635] {strides = array<i32>} : memref<80x2x128xi32, #tpu.memory_space<vmem>>, vector<1x1x16xi32>,
      %swap3A_637 = vector.shape_cast %swap3A_636 : vector<1x1x16xi32> to vector<16xi32>
      %swap3A_638 = vector.shape_cast %or3A_631 : vector<16xi32> to vector<1x1x16xi32>
      tpu.vector_store %arg5[%swap3A_633, %swap3A_634, %swap3A_635], %swap3A_638 {strides = array<i32>} : memref<80x2x128xi32, #tpu.memory_space<vmem>>, vector<1x1x16xi32>,
      %get3A_639 = arith.constant 0 : i32
      %get3A_640 = arith.index_cast %add3A_548 : i32 to index
      %get3A_641 = arith.index_cast %get3A_639 : i32 to index
      %get3A_642 = arith.constant 48 : index
      %get3A_643 = tpu.vector_load %arg5[%get3A_640, %get3A_641, %get3A_642] {strides = array<i32>} : memref<80x2x128xi32, #tpu.memory_space<vmem>>, vector<1x1x16xi32>,
      %get3A_644 = vector.shape_cast %get3A_643 : vector<1x1x16xi32> to vector<16xi32>
      %and3A_645 = arith.constant -1024 : i32
      %and3A_646 = vector.broadcast %and3A_645 : i32 to vector<16xi32>
      %and3A_647 = arith.andi %get3A_644, %and3A_646 : vector<16xi32>
      %and3A_648 = arith.constant 127 : i32
      %and3A_649 = vector.broadcast %and3A_648 : i32 to vector<16xi32>
      %and3A_650 = arith.andi %get3A_644, %and3A_649 : vector<16xi32>
      %shift_left3A_651 = arith.constant 3 : i32
      %shift_left3A_652 = vector.broadcast %shift_left3A_651 : i32 to vector<16xi32>
      %shift_left3A_653 = arith.shli %and3A_650, %shift_left3A_652 : vector<16xi32>
      %or3A_654 = arith.ori %and3A_647, %shift_left3A_653 : vector<16xi32>
      %shift_right_arithmetic3A_655 = arith.constant 7 : i32
      %shift_right_arithmetic3A_656 = vector.broadcast %shift_right_arithmetic3A_655 : i32 to vector<16xi32>
      %shift_right_arithmetic3A_657 = arith.shrsi %get3A_644, %shift_right_arithmetic3A_656 : vector<16xi32>
      %and3A_658 = arith.constant 7 : i32
      %and3A_659 = vector.broadcast %and3A_658 : i32 to vector<16xi32>
      %and3A_660 = arith.andi %shift_right_arithmetic3A_657, %and3A_659 : vector<16xi32>
      %or3A_661 = arith.ori %or3A_654, %and3A_660 : vector<16xi32>
      %swap3A_662 = arith.constant 0 : i32
      %swap3A_663 = arith.index_cast %add3A_548 : i32 to index
      %swap3A_664 = arith.index_cast %swap3A_662 : i32 to index
      %swap3A_665 = arith.constant 48 : index
      %swap3A_666 = tpu.vector_load %arg5[%swap3A_663, %swap3A_664, %swap3A_665] {strides = array<i32>} : memref<80x2x128xi32, #tpu.memory_space<vmem>>, vector<1x1x16xi32>,
      %swap3A_667 = vector.shape_cast %swap3A_666 : vector<1x1x16xi32> to vector<16xi32>
      %swap3A_668 = vector.shape_cast %or3A_661 : vector<16xi32> to vector<1x1x16xi32>
      tpu.vector_store %arg5[%swap3A_663, %swap3A_664, %swap3A_665], %swap3A_668 {strides = array<i32>} : memref<80x2x128xi32, #tpu.memory_space<vmem>>, vector<1x1x16xi32>,
      %get3A_669 = arith.constant 0 : i32
      %get3A_670 = arith.index_cast %add3A_548 : i32 to index
      %get3A_671 = arith.index_cast %get3A_669 : i32 to index
      %get3A_672 = arith.constant 64 : index
      %get3A_673 = tpu.vector_load %arg5[%get3A_670, %get3A_671, %get3A_672] {strides = array<i32>} : memref<80x2x128xi32, #tpu.memory_space<vmem>>, vector<1x1x16xi32>,
      %get3A_674 = vector.shape_cast %get3A_673 : vector<1x1x16xi32> to vector<16xi32>
      %and3A_675 = arith.constant -1024 : i32
      %and3A_676 = vector.broadcast %and3A_675 : i32 to vector<16xi32>
      %and3A_677 = arith.andi %get3A_674, %and3A_676 : vector<16xi32>
      %and3A_678 = arith.constant 127 : i32
      %and3A_679 = vector.broadcast %and3A_678 : i32 to vector<16xi32>
      %and3A_680 = arith.andi %get3A_674, %and3A_679 : vector<16xi32>
      %shift_left3A_681 = arith.constant 3 : i32
      %shift_left3A_682 = vector.broadcast %shift_left3A_681 : i32 to vector<16xi32>
      %shift_left3A_683 = arith.shli %and3A_680, %shift_left3A_682 : vector<16xi32>
      %or3A_684 = arith.ori %and3A_677, %shift_left3A_683 : vector<16xi32>
      %shift_right_arithmetic3A_685 = arith.constant 7 : i32
      %shift_right_arithmetic3A_686 = vector.broadcast %shift_right_arithmetic3A_685 : i32 to vector<16xi32>
      %shift_right_arithmetic3A_687 = arith.shrsi %get3A_674, %shift_right_arithmetic3A_686 : vector<16xi32>
      %and3A_688 = arith.constant 7 : i32
      %and3A_689 = vector.broadcast %and3A_688 : i32 to vector<16xi32>
      %and3A_690 = arith.andi %shift_right_arithmetic3A_687, %and3A_689 : vector<16xi32>
      %or3A_691 = arith.ori %or3A_684, %and3A_690 : vector<16xi32>
      %swap3A_692 = arith.constant 0 : i32
      %swap3A_693 = arith.index_cast %add3A_548 : i32 to index
      %swap3A_694 = arith.index_cast %swap3A_692 : i32 to index
      %swap3A_695 = arith.constant 64 : index
      %swap3A_696 = tpu.vector_load %arg5[%swap3A_693, %swap3A_694, %swap3A_695] {strides = array<i32>} : memref<80x2x128xi32, #tpu.memory_space<vmem>>, vector<1x1x16xi32>,
      %swap3A_697 = vector.shape_cast %swap3A_696 : vector<1x1x16xi32> to vector<16xi32>
      %swap3A_698 = vector.shape_cast %or3A_691 : vector<16xi32> to vector<1x1x16xi32>
      tpu.vector_store %arg5[%swap3A_693, %swap3A_694, %swap3A_695], %swap3A_698 {strides = array<i32>} : memref<80x2x128xi32, #tpu.memory_space<vmem>>, vector<1x1x16xi32>,
      %get3A_699 = arith.constant 0 : i32
      %get3A_700 = arith.index_cast %add3A_548 : i32 to index
      %get3A_701 = arith.index_cast %get3A_699 : i32 to index
      %get3A_702 = arith.constant 80 : index
      %get3A_703 = tpu.vector_load %arg5[%get3A_700, %get3A_701, %get3A_702] {strides = array<i32>} : memref<80x2x128xi32, #tpu.memory_space<vmem>>, vector<1x1x16xi32>,
      %get3A_704 = vector.shape_cast %get3A_703 : vector<1x1x16xi32> to vector<16xi32>
      %and3A_705 = arith.constant -1024 : i32
      %and3A_706 = vector.broadcast %and3A_705 : i32 to vector<16xi32>
      %and3A_707 = arith.andi %get3A_704, %and3A_706 : vector<16xi32>
      %and3A_708 = arith.constant 127 : i32
      %and3A_709 = vector.broadcast %and3A_708 : i32 to vector<16xi32>
      %and3A_710 = arith.andi %get3A_704, %and3A_709 : vector<16xi32>
      %shift_left3A_711 = arith.constant 3 : i32
      %shift_left3A_712 = vector.broadcast %shift_left3A_711 : i32 to vector<16xi32>
      %shift_left3A_713 = arith.shli %and3A_710, %shift_left3A_712 : vector<16xi32>
      %or3A_714 = arith.ori %and3A_707, %shift_left3A_713 : vector<16xi32>
      %shift_right_arithmetic3A_715 = arith.constant 7 : i32
      %shift_right_arithmetic3A_716 = vector.broadcast %shift_right_arithmetic3A_715 : i32 to vector<16xi32>
      %shift_right_arithmetic3A_717 = arith.shrsi %get3A_704, %shift_right_arithmetic3A_716 : vector<16xi32>
      %and3A_718 = arith.constant 7 : i32
      %and3A_719 = vector.broadcast %and3A_718 : i32 to vector<16xi32>
      %and3A_720 = arith.andi %shift_right_arithmetic3A_717, %and3A_719 : vector<16xi32>
      %or3A_721 = arith.ori %or3A_714, %and3A_720 : vector<16xi32>
      %swap3A_722 = arith.constant 0 : i32
      %swap3A_723 = arith.index_cast %add3A_548 : i32 to index
      %swap3A_724 = arith.index_cast %swap3A_722 : i32 to index
      %swap3A_725 = arith.constant 80 : index
      %swap3A_726 = tpu.vector_load %arg5[%swap3A_723, %swap3A_724, %swap3A_725] {strides = array<i32>} : memref<80x2x128xi32, #tpu.memory_space<vmem>>, vector<1x1x16xi32>,
      %swap3A_727 = vector.shape_cast %swap3A_726 : vector<1x1x16xi32> to vector<16xi32>
      %swap3A_728 = vector.shape_cast %or3A_721 : vector<16xi32> to vector<1x1x16xi32>
      tpu.vector_store %arg5[%swap3A_723, %swap3A_724, %swap3A_725], %swap3A_728 {strides = array<i32>} : memref<80x2x128xi32, #tpu.memory_space<vmem>>, vector<1x1x16xi32>,
      %get3A_729 = arith.constant 0 : i32
      %get3A_730 = arith.index_cast %add3A_548 : i32 to index
      %get3A_731 = arith.index_cast %get3A_729 : i32 to index
      %get3A_732 = arith.constant 96 : index
      %get3A_733 = tpu.vector_load %arg5[%get3A_730, %get3A_731, %get3A_732] {strides = array<i32>} : memref<80x2x128xi32, #tpu.memory_space<vmem>>, vector<1x1x16xi32>,
      %get3A_734 = vector.shape_cast %get3A_733 : vector<1x1x16xi32> to vector<16xi32>
      %and3A_735 = arith.constant -1024 : i32
      %and3A_736 = vector.broadcast %and3A_735 : i32 to vector<16xi32>
      %and3A_737 = arith.andi %get3A_734, %and3A_736 : vector<16xi32>
      %and3A_738 = arith.constant 127 : i32
      %and3A_739 = vector.broadcast %and3A_738 : i32 to vector<16xi32>
      %and3A_740 = arith.andi %get3A_734, %and3A_739 : vector<16xi32>
      %shift_left3A_741 = arith.constant 3 : i32
      %shift_left3A_742 = vector.broadcast %shift_left3A_741 : i32 to vector<16xi32>
      %shift_left3A_743 = arith.shli %and3A_740, %shift_left3A_742 : vector<16xi32>
      %or3A_744 = arith.ori %and3A_737, %shift_left3A_743 : vector<16xi32>
      %shift_right_arithmetic3A_745 = arith.constant 7 : i32
      %shift_right_arithmetic3A_746 = vector.broadcast %shift_right_arithmetic3A_745 : i32 to vector<16xi32>
      %shift_right_arithmetic3A_747 = arith.shrsi %get3A_734, %shift_right_arithmetic3A_746 : vector<16xi32>
      %and3A_748 = arith.constant 7 : i32
      %and3A_749 = vector.broadcast %and3A_748 : i32 to vector<16xi32>
      %and3A_750 = arith.andi %shift_right_arithmetic3A_747, %and3A_749 : vector<16xi32>
      %or3A_751 = arith.ori %or3A_744, %and3A_750 : vector<16xi32>
      %swap3A_752 = arith.constant 0 : i32
      %swap3A_753 = arith.index_cast %add3A_548 : i32 to index
      %swap3A_754 = arith.index_cast %swap3A_752 : i32 to index
      %swap3A_755 = arith.constant 96 : index
      %swap3A_756 = tpu.vector_load %arg5[%swap3A_753, %swap3A_754, %swap3A_755] {strides = array<i32>} : memref<80x2x128xi32, #tpu.memory_space<vmem>>, vector<1x1x16xi32>,
      %swap3A_757 = vector.shape_cast %swap3A_756 : vector<1x1x16xi32> to vector<16xi32>
      %swap3A_758 = vector.shape_cast %or3A_751 : vector<16xi32> to vector<1x1x16xi32>
      tpu.vector_store %arg5[%swap3A_753, %swap3A_754, %swap3A_755], %swap3A_758 {strides = array<i32>} : memref<80x2x128xi32, #tpu.memory_space<vmem>>, vector<1x1x16xi32>,
      %get3A_759 = arith.constant 0 : i32
      %get3A_760 = arith.index_cast %add3A_548 : i32 to index
      %get3A_761 = arith.index_cast %get3A_759 : i32 to index
      %get3A_762 = arith.constant 112 : index
      %get3A_763 = tpu.vector_load %arg5[%get3A_760, %get3A_761, %get3A_762] {strides = array<i32>} : memref<80x2x128xi32, #tpu.memory_space<vmem>>, vector<1x1x16xi32>,
      %get3A_764 = vector.shape_cast %get3A_763 : vector<1x1x16xi32> to vector<16xi32>
      %and3A_765 = arith.constant -1024 : i32
      %and3A_766 = vector.broadcast %and3A_765 : i32 to vector<16xi32>
      %and3A_767 = arith.andi %get3A_764, %and3A_766 : vector<16xi32>
      %and3A_768 = arith.constant 127 : i32
      %and3A_769 = vector.broadcast %and3A_768 : i32 to vector<16xi32>
      %and3A_770 = arith.andi %get3A_764, %and3A_769 : vector<16xi32>
      %shift_left3A_771 = arith.constant 3 : i32
      %shift_left3A_772 = vector.broadcast %shift_left3A_771 : i32 to vector<16xi32>
      %shift_left3A_773 = arith.shli %and3A_770, %shift_left3A_772 : vector<16xi32>
      %or3A_774 = arith.ori %and3A_767, %shift_left3A_773 : vector<16xi32>
      %shift_right_arithmetic3A_775 = arith.constant 7 : i32
      %shift_right_arithmetic3A_776 = vector.broadcast %shift_right_arithmetic3A_775 : i32 to vector<16xi32>
      %shift_right_arithmetic3A_777 = arith.shrsi %get3A_764, %shift_right_arithmetic3A_776 : vector<16xi32>
      %and3A_778 = arith.constant 7 : i32
      %and3A_779 = vector.broadcast %and3A_778 : i32 to vector<16xi32>
      %and3A_780 = arith.andi %shift_right_arithmetic3A_777, %and3A_779 : vector<16xi32>
      %or3A_781 = arith.ori %or3A_774, %and3A_780 : vector<16xi32>
      %swap3A_782 = arith.constant 0 : i32
      %swap3A_783 = arith.index_cast %add3A_548 : i32 to index
      %swap3A_784 = arith.index_cast %swap3A_782 : i32 to index
      %swap3A_785 = arith.constant 112 : index
      %swap3A_786 = tpu.vector_load %arg5[%swap3A_783, %swap3A_784, %swap3A_785] {strides = array<i32>} : memref<80x2x128xi32, #tpu.memory_space<vmem>>, vector<1x1x16xi32>,
      %swap3A_787 = vector.shape_cast %swap3A_786 : vector<1x1x16xi32> to vector<16xi32>
      %swap3A_788 = vector.shape_cast %or3A_781 : vector<16xi32> to vector<1x1x16xi32>
      tpu.vector_store %arg5[%swap3A_783, %swap3A_784, %swap3A_785], %swap3A_788 {strides = array<i32>} : memref<80x2x128xi32, #tpu.memory_space<vmem>>, vector<1x1x16xi32>,
      %get3A_789 = arith.constant 1 : i32
      %get3A_790 = arith.index_cast %add3A_548 : i32 to index
      %get3A_791 = arith.index_cast %get3A_789 : i32 to index
      %get3A_792 = arith.constant 0 : index
      %get3A_793 = tpu.vector_load %arg5[%get3A_790, %get3A_791, %get3A_792] {strides = array<i32>} : memref<80x2x128xi32, #tpu.memory_space<vmem>>, vector<1x1x16xi32>,
      %get3A_794 = vector.shape_cast %get3A_793 : vector<1x1x16xi32> to vector<16xi32>
      %and3A_795 = arith.constant -1024 : i32
      %and3A_796 = vector.broadcast %and3A_795 : i32 to vector<16xi32>
      %and3A_797 = arith.andi %get3A_794, %and3A_796 : vector<16xi32>
      %and3A_798 = arith.constant 127 : i32
      %and3A_799 = vector.broadcast %and3A_798 : i32 to vector<16xi32>
      %and3A_800 = arith.andi %get3A_794, %and3A_799 : vector<16xi32>
      %shift_left3A_801 = arith.constant 3 : i32
      %shift_left3A_802 = vector.broadcast %shift_left3A_801 : i32 to vector<16xi32>
      %shift_left3A_803 = arith.shli %and3A_800, %shift_left3A_802 : vector<16xi32>
      %or3A_804 = arith.ori %and3A_797, %shift_left3A_803 : vector<16xi32>
      %shift_right_arithmetic3A_805 = arith.constant 7 : i32
      %shift_right_arithmetic3A_806 = vector.broadcast %shift_right_arithmetic3A_805 : i32 to vector<16xi32>
      %shift_right_arithmetic3A_807 = arith.shrsi %get3A_794, %shift_right_arithmetic3A_806 : vector<16xi32>
      %and3A_808 = arith.constant 7 : i32
      %and3A_809 = vector.broadcast %and3A_808 : i32 to vector<16xi32>
      %and3A_810 = arith.andi %shift_right_arithmetic3A_807, %and3A_809 : vector<16xi32>
      %or3A_811 = arith.ori %or3A_804, %and3A_810 : vector<16xi32>
      %swap3A_812 = arith.constant 1 : i32
      %swap3A_813 = arith.index_cast %add3A_548 : i32 to index
      %swap3A_814 = arith.index_cast %swap3A_812 : i32 to index
      %swap3A_815 = arith.constant 0 : index
      %swap3A_816 = tpu.vector_load %arg5[%swap3A_813, %swap3A_814, %swap3A_815] {strides = array<i32>} : memref<80x2x128xi32, #tpu.memory_space<vmem>>, vector<1x1x16xi32>,
      %swap3A_817 = vector.shape_cast %swap3A_816 : vector<1x1x16xi32> to vector<16xi32>
      %swap3A_818 = vector.shape_cast %or3A_811 : vector<16xi32> to vector<1x1x16xi32>
      tpu.vector_store %arg5[%swap3A_813, %swap3A_814, %swap3A_815], %swap3A_818 {strides = array<i32>} : memref<80x2x128xi32, #tpu.memory_space<vmem>>, vector<1x1x16xi32>,
      %get3A_819 = arith.constant 1 : i32
      %get3A_820 = arith.index_cast %add3A_548 : i32 to index
      %get3A_821 = arith.index_cast %get3A_819 : i32 to index
      %get3A_822 = arith.constant 16 : index
      %get3A_823 = tpu.vector_load %arg5[%get3A_820, %get3A_821, %get3A_822] {strides = array<i32>} : memref<80x2x128xi32, #tpu.memory_space<vmem>>, vector<1x1x16xi32>,
      %get3A_824 = vector.shape_cast %get3A_823 : vector<1x1x16xi32> to vector<16xi32>
      %and3A_825 = arith.constant -1024 : i32
      %and3A_826 = vector.broadcast %and3A_825 : i32 to vector<16xi32>
      %and3A_827 = arith.andi %get3A_824, %and3A_826 : vector<16xi32>
      %and3A_828 = arith.constant 127 : i32
      %and3A_829 = vector.broadcast %and3A_828 : i32 to vector<16xi32>
      %and3A_830 = arith.andi %get3A_824, %and3A_829 : vector<16xi32>
      %shift_left3A_831 = arith.constant 3 : i32
      %shift_left3A_832 = vector.broadcast %shift_left3A_831 : i32 to vector<16xi32>
      %shift_left3A_833 = arith.shli %and3A_830, %shift_left3A_832 : vector<16xi32>
      %or3A_834 = arith.ori %and3A_827, %shift_left3A_833 : vector<16xi32>
      %shift_right_arithmetic3A_835 = arith.constant 7 : i32
      %shift_right_arithmetic3A_836 = vector.broadcast %shift_right_arithmetic3A_835 : i32 to vector<16xi32>
      %shift_right_arithmetic3A_837 = arith.shrsi %get3A_824, %shift_right_arithmetic3A_836 : vector<16xi32>
      %and3A_838 = arith.constant 7 : i32
      %and3A_839 = vector.broadcast %and3A_838 : i32 to vector<16xi32>
      %and3A_840 = arith.andi %shift_right_arithmetic3A_837, %and3A_839 : vector<16xi32>
      %or3A_841 = arith.ori %or3A_834, %and3A_840 : vector<16xi32>
      %swap3A_842 = arith.constant 1 : i32
      %swap3A_843 = arith.index_cast %add3A_548 : i32 to index
      %swap3A_844 = arith.index_cast %swap3A_842 : i32 to index
      %swap3A_845 = arith.constant 16 : index
      %swap3A_846 = tpu.vector_load %arg5[%swap3A_843, %swap3A_844, %swap3A_845] {strides = array<i32>} : memref<80x2x128xi32, #tpu.memory_space<vmem>>, vector<1x1x16xi32>,
      %swap3A_847 = vector.shape_cast %swap3A_846 : vector<1x1x16xi32> to vector<16xi32>
      %swap3A_848 = vector.shape_cast %or3A_841 : vector<16xi32> to vector<1x1x16xi32>
      tpu.vector_store %arg5[%swap3A_843, %swap3A_844, %swap3A_845], %swap3A_848 {strides = array<i32>} : memref<80x2x128xi32, #tpu.memory_space<vmem>>, vector<1x1x16xi32>,
      %get3A_849 = arith.constant 1 : i32
      %get3A_850 = arith.index_cast %add3A_548 : i32 to index
      %get3A_851 = arith.index_cast %get3A_849 : i32 to index
      %get3A_852 = arith.constant 32 : index
      %get3A_853 = tpu.vector_load %arg5[%get3A_850, %get3A_851, %get3A_852] {strides = array<i32>} : memref<80x2x128xi32, #tpu.memory_space<vmem>>, vector<1x1x16xi32>,
      %get3A_854 = vector.shape_cast %get3A_853 : vector<1x1x16xi32> to vector<16xi32>
      %and3A_855 = arith.constant -1024 : i32
      %and3A_856 = vector.broadcast %and3A_855 : i32 to vector<16xi32>
      %and3A_857 = arith.andi %get3A_854, %and3A_856 : vector<16xi32>
      %and3A_858 = arith.constant 127 : i32
      %and3A_859 = vector.broadcast %and3A_858 : i32 to vector<16xi32>
      %and3A_860 = arith.andi %get3A_854, %and3A_859 : vector<16xi32>
      %shift_left3A_861 = arith.constant 3 : i32
      %shift_left3A_862 = vector.broadcast %shift_left3A_861 : i32 to vector<16xi32>
      %shift_left3A_863 = arith.shli %and3A_860, %shift_left3A_862 : vector<16xi32>
      %or3A_864 = arith.ori %and3A_857, %shift_left3A_863 : vector<16xi32>
      %shift_right_arithmetic3A_865 = arith.constant 7 : i32
      %shift_right_arithmetic3A_866 = vector.broadcast %shift_right_arithmetic3A_865 : i32 to vector<16xi32>
      %shift_right_arithmetic3A_867 = arith.shrsi %get3A_854, %shift_right_arithmetic3A_866 : vector<16xi32>
      %and3A_868 = arith.constant 7 : i32
      %and3A_869 = vector.broadcast %and3A_868 : i32 to vector<16xi32>
      %and3A_870 = arith.andi %shift_right_arithmetic3A_867, %and3A_869 : vector<16xi32>
      %or3A_871 = arith.ori %or3A_864, %and3A_870 : vector<16xi32>
      %swap3A_872 = arith.constant 1 : i32
      %swap3A_873 = arith.index_cast %add3A_548 : i32 to index
      %swap3A_874 = arith.index_cast %swap3A_872 : i32 to index
      %swap3A_875 = arith.constant 32 : index
      %swap3A_876 = tpu.vector_load %arg5[%swap3A_873, %swap3A_874, %swap3A_875] {strides = array<i32>} : memref<80x2x128xi32, #tpu.memory_space<vmem>>, vector<1x1x16xi32>,
      %swap3A_877 = vector.shape_cast %swap3A_876 : vector<1x1x16xi32> to vector<16xi32>
      %swap3A_878 = vector.shape_cast %or3A_871 : vector<16xi32> to vector<1x1x16xi32>
      tpu.vector_store %arg5[%swap3A_873, %swap3A_874, %swap3A_875], %swap3A_878 {strides = array<i32>} : memref<80x2x128xi32, #tpu.memory_space<vmem>>, vector<1x1x16xi32>,
      %get3A_879 = arith.constant 1 : i32
      %get3A_880 = arith.index_cast %add3A_548 : i32 to index
      %get3A_881 = arith.index_cast %get3A_879 : i32 to index
      %get3A_882 = arith.constant 48 : index
      %get3A_883 = tpu.vector_load %arg5[%get3A_880, %get3A_881, %get3A_882] {strides = array<i32>} : memref<80x2x128xi32, #tpu.memory_space<vmem>>, vector<1x1x16xi32>,
      %get3A_884 = vector.shape_cast %get3A_883 : vector<1x1x16xi32> to vector<16xi32>
      %and3A_885 = arith.constant -1024 : i32
      %and3A_886 = vector.broadcast %and3A_885 : i32 to vector<16xi32>
      %and3A_887 = arith.andi %get3A_884, %and3A_886 : vector<16xi32>
      %and3A_888 = arith.constant 127 : i32
      %and3A_889 = vector.broadcast %and3A_888 : i32 to vector<16xi32>
      %and3A_890 = arith.andi %get3A_884, %and3A_889 : vector<16xi32>
      %shift_left3A_891 = arith.constant 3 : i32
      %shift_left3A_892 = vector.broadcast %shift_left3A_891 : i32 to vector<16xi32>
      %shift_left3A_893 = arith.shli %and3A_890, %shift_left3A_892 : vector<16xi32>
      %or3A_894 = arith.ori %and3A_887, %shift_left3A_893 : vector<16xi32>
      %shift_right_arithmetic3A_895 = arith.constant 7 : i32
      %shift_right_arithmetic3A_896 = vector.broadcast %shift_right_arithmetic3A_895 : i32 to vector<16xi32>
      %shift_right_arithmetic3A_897 = arith.shrsi %get3A_884, %shift_right_arithmetic3A_896 : vector<16xi32>
      %and3A_898 = arith.constant 7 : i32
      %and3A_899 = vector.broadcast %and3A_898 : i32 to vector<16xi32>
      %and3A_900 = arith.andi %shift_right_arithmetic3A_897, %and3A_899 : vector<16xi32>
      %or3A_901 = arith.ori %or3A_894, %and3A_900 : vector<16xi32>
      %swap3A_902 = arith.constant 1 : i32
      %swap3A_903 = arith.index_cast %add3A_548 : i32 to index
      %swap3A_904 = arith.index_cast %swap3A_902 : i32 to index
      %swap3A_905 = arith.constant 48 : index
      %swap3A_906 = tpu.vector_load %arg5[%swap3A_903, %swap3A_904, %swap3A_905] {strides = array<i32>} : memref<80x2x128xi32, #tpu.memory_space<vmem>>, vector<1x1x16xi32>,
      %swap3A_907 = vector.shape_cast %swap3A_906 : vector<1x1x16xi32> to vector<16xi32>
      %swap3A_908 = vector.shape_cast %or3A_901 : vector<16xi32> to vector<1x1x16xi32>
      tpu.vector_store %arg5[%swap3A_903, %swap3A_904, %swap3A_905], %swap3A_908 {strides = array<i32>} : memref<80x2x128xi32, #tpu.memory_space<vmem>>, vector<1x1x16xi32>,
      %get3A_909 = arith.constant 1 : i32
      %get3A_910 = arith.index_cast %add3A_548 : i32 to index
      %get3A_911 = arith.index_cast %get3A_909 : i32 to index
      %get3A_912 = arith.constant 64 : index
      %get3A_913 = tpu.vector_load %arg5[%get3A_910, %get3A_911, %get3A_912] {strides = array<i32>} : memref<80x2x128xi32, #tpu.memory_space<vmem>>, vector<1x1x16xi32>,
      %get3A_914 = vector.shape_cast %get3A_913 : vector<1x1x16xi32> to vector<16xi32>
      %and3A_915 = arith.constant -1024 : i32
      %and3A_916 = vector.broadcast %and3A_915 : i32 to vector<16xi32>
      %and3A_917 = arith.andi %get3A_914, %and3A_916 : vector<16xi32>
      %and3A_918 = arith.constant 127 : i32
      %and3A_919 = vector.broadcast %and3A_918 : i32 to vector<16xi32>
      %and3A_920 = arith.andi %get3A_914, %and3A_919 : vector<16xi32>
      %shift_left3A_921 = arith.constant 3 : i32
      %shift_left3A_922 = vector.broadcast %shift_left3A_921 : i32 to vector<16xi32>
      %shift_left3A_923 = arith.shli %and3A_920, %shift_left3A_922 : vector<16xi32>
      %or3A_924 = arith.ori %and3A_917, %shift_left3A_923 : vector<16xi32>
      %shift_right_arithmetic3A_925 = arith.constant 7 : i32
      %shift_right_arithmetic3A_926 = vector.broadcast %shift_right_arithmetic3A_925 : i32 to vector<16xi32>
      %shift_right_arithmetic3A_927 = arith.shrsi %get3A_914, %shift_right_arithmetic3A_926 : vector<16xi32>
      %and3A_928 = arith.constant 7 : i32
      %and3A_929 = vector.broadcast %and3A_928 : i32 to vector<16xi32>
      %and3A_930 = arith.andi %shift_right_arithmetic3A_927, %and3A_929 : vector<16xi32>
      %or3A_931 = arith.ori %or3A_924, %and3A_930 : vector<16xi32>
      %swap3A_932 = arith.constant 1 : i32
      %swap3A_933 = arith.index_cast %add3A_548 : i32 to index
      %swap3A_934 = arith.index_cast %swap3A_932 : i32 to index
      %swap3A_935 = arith.constant 64 : index
      %swap3A_936 = tpu.vector_load %arg5[%swap3A_933, %swap3A_934, %swap3A_935] {strides = array<i32>} : memref<80x2x128xi32, #tpu.memory_space<vmem>>, vector<1x1x16xi32>,
      %swap3A_937 = vector.shape_cast %swap3A_936 : vector<1x1x16xi32> to vector<16xi32>
      %swap3A_938 = vector.shape_cast %or3A_931 : vector<16xi32> to vector<1x1x16xi32>
      tpu.vector_store %arg5[%swap3A_933, %swap3A_934, %swap3A_935], %swap3A_938 {strides = array<i32>} : memref<80x2x128xi32, #tpu.memory_space<vmem>>, vector<1x1x16xi32>,
      %get3A_939 = arith.constant 1 : i32
      %get3A_940 = arith.index_cast %add3A_548 : i32 to index
      %get3A_941 = arith.index_cast %get3A_939 : i32 to index
      %get3A_942 = arith.constant 80 : index
      %get3A_943 = tpu.vector_load %arg5[%get3A_940, %get3A_941, %get3A_942] {strides = array<i32>} : memref<80x2x128xi32, #tpu.memory_space<vmem>>, vector<1x1x16xi32>,
      %get3A_944 = vector.shape_cast %get3A_943 : vector<1x1x16xi32> to vector<16xi32>
      %and3A_945 = arith.constant -1024 : i32
      %and3A_946 = vector.broadcast %and3A_945 : i32 to vector<16xi32>
      %and3A_947 = arith.andi %get3A_944, %and3A_946 : vector<16xi32>
      %and3A_948 = arith.constant 127 : i32
      %and3A_949 = vector.broadcast %and3A_948 : i32 to vector<16xi32>
      %and3A_950 = arith.andi %get3A_944, %and3A_949 : vector<16xi32>
      %shift_left3A_951 = arith.constant 3 : i32
      %shift_left3A_952 = vector.broadcast %shift_left3A_951 : i32 to vector<16xi32>
      %shift_left3A_953 = arith.shli %and3A_950, %shift_left3A_952 : vector<16xi32>
      %or3A_954 = arith.ori %and3A_947, %shift_left3A_953 : vector<16xi32>
      %shift_right_arithmetic3A_955 = arith.constant 7 : i32
      %shift_right_arithmetic3A_956 = vector.broadcast %shift_right_arithmetic3A_955 : i32 to vector<16xi32>
      %shift_right_arithmetic3A_957 = arith.shrsi %get3A_944, %shift_right_arithmetic3A_956 : vector<16xi32>
      %and3A_958 = arith.constant 7 : i32
      %and3A_959 = vector.broadcast %and3A_958 : i32 to vector<16xi32>
      %and3A_960 = arith.andi %shift_right_arithmetic3A_957, %and3A_959 : vector<16xi32>
      %or3A_961 = arith.ori %or3A_954, %and3A_960 : vector<16xi32>
      %swap3A_962 = arith.constant 1 : i32
      %swap3A_963 = arith.index_cast %add3A_548 : i32 to index
      %swap3A_964 = arith.index_cast %swap3A_962 : i32 to index
      %swap3A_965 = arith.constant 80 : index
      %swap3A_966 = tpu.vector_load %arg5[%swap3A_963, %swap3A_964, %swap3A_965] {strides = array<i32>} : memref<80x2x128xi32, #tpu.memory_space<vmem>>, vector<1x1x16xi32>,
      %swap3A_967 = vector.shape_cast %swap3A_966 : vector<1x1x16xi32> to vector<16xi32>
      %swap3A_968 = vector.shape_cast %or3A_961 : vector<16xi32> to vector<1x1x16xi32>
      tpu.vector_store %arg5[%swap3A_963, %swap3A_964, %swap3A_965], %swap3A_968 {strides = array<i32>} : memref<80x2x128xi32, #tpu.memory_space<vmem>>, vector<1x1x16xi32>,
      %get3A_969 = arith.constant 1 : i32
      %get3A_970 = arith.index_cast %add3A_548 : i32 to index
      %get3A_971 = arith.index_cast %get3A_969 : i32 to index
      %get3A_972 = arith.constant 96 : index
      %get3A_973 = tpu.vector_load %arg5[%get3A_970, %get3A_971, %get3A_972] {strides = array<i32>} : memref<80x2x128xi32, #tpu.memory_space<vmem>>, vector<1x1x16xi32>,
      %get3A_974 = vector.shape_cast %get3A_973 : vector<1x1x16xi32> to vector<16xi32>
      %and3A_975 = arith.constant -1024 : i32
      %and3A_976 = vector.broadcast %and3A_975 : i32 to vector<16xi32>
      %and3A_977 = arith.andi %get3A_974, %and3A_976 : vector<16xi32>
      %and3A_978 = arith.constant 127 : i32
      %and3A_979 = vector.broadcast %and3A_978 : i32 to vector<16xi32>
      %and3A_980 = arith.andi %get3A_974, %and3A_979 : vector<16xi32>
      %shift_left3A_981 = arith.constant 3 : i32
      %shift_left3A_982 = vector.broadcast %shift_left3A_981 : i32 to vector<16xi32>
      %shift_left3A_983 = arith.shli %and3A_980, %shift_left3A_982 : vector<16xi32>
      %or3A_984 = arith.ori %and3A_977, %shift_left3A_983 : vector<16xi32>
      %shift_right_arithmetic3A_985 = arith.constant 7 : i32
      %shift_right_arithmetic3A_986 = vector.broadcast %shift_right_arithmetic3A_985 : i32 to vector<16xi32>
      %shift_right_arithmetic3A_987 = arith.shrsi %get3A_974, %shift_right_arithmetic3A_986 : vector<16xi32>
      %and3A_988 = arith.constant 7 : i32
      %and3A_989 = vector.broadcast %and3A_988 : i32 to vector<16xi32>
      %and3A_990 = arith.andi %shift_right_arithmetic3A_987, %and3A_989 : vector<16xi32>
      %or3A_991 = arith.ori %or3A_984, %and3A_990 : vector<16xi32>
      %swap3A_992 = arith.constant 1 : i32
      %swap3A_993 = arith.index_cast %add3A_548 : i32 to index
      %swap3A_994 = arith.index_cast %swap3A_992 : i32 to index
      %swap3A_995 = arith.constant 96 : index
      %swap3A_996 = tpu.vector_load %arg5[%swap3A_993, %swap3A_994, %swap3A_995] {strides = array<i32>} : memref<80x2x128xi32, #tpu.memory_space<vmem>>, vector<1x1x16xi32>,
      %swap3A_997 = vector.shape_cast %swap3A_996 : vector<1x1x16xi32> to vector<16xi32>
      %swap3A_998 = vector.shape_cast %or3A_991 : vector<16xi32> to vector<1x1x16xi32>
      tpu.vector_store %arg5[%swap3A_993, %swap3A_994, %swap3A_995], %swap3A_998 {strides = array<i32>} : memref<80x2x128xi32, #tpu.memory_space<vmem>>, vector<1x1x16xi32>,
      %get3A_999 = arith.constant 1 : i32
      %get3A_1000 = arith.index_cast %add3A_548 : i32 to index
      %get3A_1001 = arith.index_cast %get3A_999 : i32 to index
      %get3A_1002 = arith.constant 112 : index
      %get3A_1003 = tpu.vector_load %arg5[%get3A_1000, %get3A_1001, %get3A_1002] {strides = array<i32>} : memref<80x2x128xi32, #tpu.memory_space<vmem>>, vector<1x1x16xi32>,
      %get3A_1004 = vector.shape_cast %get3A_1003 : vector<1x1x16xi32> to vector<16xi32>
      %and3A_1005 = arith.constant -1024 : i32
      %and3A_1006 = vector.broadcast %and3A_1005 : i32 to vector<16xi32>
      %and3A_1007 = arith.andi %get3A_1004, %and3A_1006 : vector<16xi32>
      %and3A_1008 = arith.constant 127 : i32
      %and3A_1009 = vector.broadcast %and3A_1008 : i32 to vector<16xi32>
      %and3A_1010 = arith.andi %get3A_1004, %and3A_1009 : vector<16xi32>
      %shift_left3A_1011 = arith.constant 3 : i32
      %shift_left3A_1012 = vector.broadcast %shift_left3A_1011 : i32 to vector<16xi32>
      %shift_left3A_1013 = arith.shli %and3A_1010, %shift_left3A_1012 : vector<16xi32>
      %or3A_1014 = arith.ori %and3A_1007, %shift_left3A_1013 : vector<16xi32>
      %shift_right_arithmetic3A_1015 = arith.constant 7 : i32
      %shift_right_arithmetic3A_1016 = vector.broadcast %shift_right_arithmetic3A_1015 : i32 to vector<16xi32>
      %shift_right_arithmetic3A_1017 = arith.shrsi %get3A_1004, %shift_right_arithmetic3A_1016 : vector<16xi32>
      %and3A_1018 = arith.constant 7 : i32
      %and3A_1019 = vector.broadcast %and3A_1018 : i32 to vector<16xi32>
      %and3A_1020 = arith.andi %shift_right_arithmetic3A_1017, %and3A_1019 : vector<16xi32>
      %or3A_1021 = arith.ori %or3A_1014, %and3A_1020 : vector<16xi32>
      %swap3A_1022 = arith.constant 1 : i32
      %swap3A_1023 = arith.index_cast %add3A_548 : i32 to index
      %swap3A_1024 = arith.index_cast %swap3A_1022 : i32 to index
      %swap3A_1025 = arith.constant 112 : index
      %swap3A_1026 = tpu.vector_load %arg5[%swap3A_1023, %swap3A_1024, %swap3A_1025] {strides = array<i32>} : memref<80x2x128xi32, #tpu.memory_space<vmem>>, vector<1x1x16xi32>,
      %swap3A_1027 = vector.shape_cast %swap3A_1026 : vector<1x1x16xi32> to vector<16xi32>
      %swap3A_1028 = vector.shape_cast %or3A_1021 : vector<16xi32> to vector<1x1x16xi32>
      tpu.vector_store %arg5[%swap3A_1023, %swap3A_1024, %swap3A_1025], %swap3A_1028 {strides = array<i32>} : memref<80x2x128xi32, #tpu.memory_space<vmem>>, vector<1x1x16xi32>,
      %dma_wait3A = arith.constant 0 : i32
      %dma_wait3A_1029 = arith.constant 0 : i32
      %dma_wait3A_1030 = tpu.memref_slice %arg5[%while3A_540, %dma_wait3A, %dma_wait3A_1029] : memref<80x2x128xi32, #tpu.memory_space<vmem>> -> memref<1x1x128xi32, #tpu.memory_space<vmem>>
      %dma_wait3A_1031 = tpu.memref_squeeze %dma_wait3A_1030 : memref<1x1x128xi32, #tpu.memory_space<vmem>> -> memref<128xi32, #tpu.memory_space<vmem>>
      %dma_wait3A_1032 = arith.constant 0 : i32
      %dma_wait3A_1033 = arith.constant 0 : i32
      %dma_wait3A_1034 = tpu.memref_slice %arg2[%dma_wait3A_1032, %dma_wait3A_1033] : memref<10240x16xf32, #tpu.memory_space<hbm>> -> memref<10240x16xf32, #tpu.memory_space<hbm>>
      tpu.wait_indirect_dma semaphore(%arg9 : memref<!tpu.dma_semaphore, #tpu.memory_space<semaphore_mem>>) src(%dma_wait3A_1034 : memref<10240x16xf32, #tpu.memory_space<hbm>>) dst(%arg6 : memref<128x16xf32, #tpu.memory_space<vmem>>)
      %run_scoped3A = arith.constant 1 : i32
      "tpu.region"() ({
        %run_scoped3A_1035 = tpu.sem_alloc : memref<!tpu.dma_semaphore, #tpu.memory_space<semaphore_mem>>
        %dma_start3A_1036 = arith.constant 0 : i32
        %dma_start3A_1037 = tpu.memref_slice %arg5[%while3A_540, %run_scoped3A, %dma_start3A_1036] : memref<80x2x128xi32, #tpu.memory_space<vmem>> -> memref<1x1x128xi32, #tpu.memory_space<vmem>>
        %dma_start3A_1038 = tpu.memref_squeeze %dma_start3A_1037 : memref<1x1x128xi32, #tpu.memory_space<vmem>> -> memref<128xi32, #tpu.memory_space<vmem>>
        %dma_start3A_1039 = arith.constant 0 : i32
        %dma_start3A_1040 = arith.constant 0 : i32
        %dma_start3A_1041 = tpu.memref_slice %arg8[%dma_start3A_1039, %dma_start3A_1040] : memref<10240x16xf32, #tpu.memory_space<vmem_shared>> -> memref<10240x16xf32, #tpu.memory_space<vmem_shared>>
        tpu.enqueue_indirect_dma source(%arg6 : memref<128x16xf32, #tpu.memory_space<vmem>>) target(%dma_start3A_1041 : memref<10240x16xf32, #tpu.memory_space<vmem_shared>>) offsets(%dma_start3A_1038 : memref<128xi32, #tpu.memory_space<vmem>>) semaphore(%run_scoped3A_1035 : memref<!tpu.dma_semaphore, #tpu.memory_space<semaphore_mem>>) {add = true}
        %dma_wait3A_1042 = arith.constant 0 : i32
        %dma_wait3A_1043 = tpu.memref_slice %arg5[%while3A_540, %run_scoped3A, %dma_wait3A_1042] : memref<80x2x128xi32, #tpu.memory_space<vmem>> -> memref<1x1x128xi32, #tpu.memory_space<vmem>>
        %dma_wait3A_1044 = tpu.memref_squeeze %dma_wait3A_1043 : memref<1x1x128xi32, #tpu.memory_space<vmem>> -> memref<128xi32, #tpu.memory_space<vmem>>
        %dma_wait3A_1045 = arith.constant 0 : i32
        %dma_wait3A_1046 = arith.constant 0 : i32
        %dma_wait3A_1047 = tpu.memref_slice %arg8[%dma_wait3A_1045, %dma_wait3A_1046] : memref<10240x16xf32, #tpu.memory_space<vmem_shared>> -> memref<10240x16xf32, #tpu.memory_space<vmem_shared>>
        tpu.wait_indirect_dma semaphore(%run_scoped3A_1035 : memref<!tpu.dma_semaphore, #tpu.memory_space<semaphore_mem>>) src(%arg6 : memref<128x16xf32, #tpu.memory_space<vmem>>) dst(%dma_wait3A_1047 : memref<10240x16xf32, #tpu.memory_space<vmem_shared>>)
        tpu.yield
      }) : () -> ()
    }
    %while3A_531 = arith.constant 1 : i32
    scf.for %while3A_540 = %while3A_529 to %while3A_525 step %while3A_531  : i32 {
      %dma_start3A = arith.constant 0 : i32
      %dma_start3A_541 = arith.constant 0 : i32
      %dma_start3A_542 = tpu.memref_slice %arg5[%while3A_540, %dma_start3A, %dma_start3A_541] : memref<80x2x128xi32, #tpu.memory_space<vmem>> -> memref<1x1x128xi32, #tpu.memory_space<vmem>>
      %dma_start3A_543 = tpu.memref_squeeze %dma_start3A_542 : memref<1x1x128xi32, #tpu.memory_space<vmem>> -> memref<128xi32, #tpu.memory_space<vmem>>
      %dma_start3A_544 = arith.constant 0 : i32
      %dma_start3A_545 = arith.constant 0 : i32
      %dma_start3A_546 = tpu.memref_slice %arg2[%dma_start3A_544, %dma_start3A_545] : memref<10240x16xf32, #tpu.memory_space<hbm>> -> memref<10240x16xf32, #tpu.memory_space<hbm>>
      tpu.enqueue_indirect_dma source(%dma_start3A_546 : memref<10240x16xf32, #tpu.memory_space<hbm>>) target(%arg6 : memref<128x16xf32, #tpu.memory_space<vmem>>) offsets(%dma_start3A_543 : memref<128xi32, #tpu.memory_space<vmem>>) semaphore(%arg9 : memref<!tpu.dma_semaphore, #tpu.memory_space<semaphore_mem>>)
      %add3A_547 = arith.constant 1 : i32
      %add3A_548 = arith.addi %while3A_540, %add3A_547 : i32
      %get3A_549 = arith.constant 0 : i32
      %get3A_550 = arith.index_cast %add3A_548 : i32 to index
      %get3A_551 = arith.index_cast %get3A_549 : i32 to index
      %get3A_552 = arith.constant 0 : index
      %get3A_553 = tpu.vector_load %arg5[%get3A_550, %get3A_551, %get3A_552] {strides = array<i32>} : memref<80x2x128xi32, #tpu.memory_space<vmem>>, vector<1x1x16xi32>,
      %get3A_554 = vector.shape_cast %get3A_553 : vector<1x1x16xi32> to vector<16xi32>
      %and3A_555 = arith.constant -1024 : i32
      %and3A_556 = vector.broadcast %and3A_555 : i32 to vector<16xi32>
      %and3A_557 = arith.andi %get3A_554, %and3A_556 : vector<16xi32>
      %and3A_558 = arith.constant 127 : i32
      %and3A_559 = vector.broadcast %and3A_558 : i32 to vector<16xi32>
      %and3A_560 = arith.andi %get3A_554, %and3A_559 : vector<16xi32>
      %shift_left3A_561 = arith.constant 3 : i32
      %shift_left3A_562 = vector.broadcast %shift_left3A_561 : i32 to vector<16xi32>
      %shift_left3A_563 = arith.shli %and3A_560, %shift_left3A_562 : vector<16xi32>
      %or3A_564 = arith.ori %and3A_557, %shift_left3A_563 : vector<16xi32>
      %shift_right_arithmetic3A_565 = arith.constant 7 : i32
      %shift_right_arithmetic3A_566 = vector.broadcast %shift_right_arithmetic3A_565 : i32 to vector<16xi32>
      %shift_right_arithmetic3A_567 = arith.shrsi %get3A_554, %shift_right_arithmetic3A_566 : vector<16xi32>
      %and3A_568 = arith.constant 7 : i32
      %and3A_569 = vector.broadcast %and3A_568 : i32 to vector<16xi32>
      %and3A_570 = arith.andi %shift_right_arithmetic3A_567, %and3A_569 : vector<16xi32>
      %or3A_571 = arith.ori %or3A_564, %and3A_570 : vector<16xi32>
      %swap3A_572 = arith.constant 0 : i32
      %swap3A_573 = arith.index_cast %add3A_548 : i32 to index
      %swap3A_574 = arith.index_cast %swap3A_572 : i32 to index
      %swap3A_575 = arith.constant 0 : index
      %swap3A_576 = tpu.vector_load %arg5[%swap3A_573, %swap3A_574, %swap3A_575] {strides = array<i32>} : memref<80x2x128xi32, #tpu.memory_space<vmem>>, vector<1x1x16xi32>,
      %swap3A_577 = vector.shape_cast %swap3A_576 : vector<1x1x16xi32> to vector<16xi32>
      %swap3A_578 = vector.shape_cast %or3A_571 : vector<16xi32> to vector<1x1x16xi32>
      tpu.vector_store %arg5[%swap3A_573, %swap3A_574, %swap3A_575], %swap3A_578 {strides = array<i32>} : memref<80x2x128xi32, #tpu.memory_space<vmem>>, vector<1x1x16xi32>,
      %get3A_579 = arith.constant 0 : i32
      %get3A_580 = arith.index_cast %add3A_548 : i32 to index
      %get3A_581 = arith.index_cast %get3A_579 : i32 to index
      %get3A_582 = arith.constant 16 : index
      %get3A_583 = tpu.vector_load %arg5[%get3A_580, %get3A_581, %get3A_582] {strides = array<i32>} : memref<80x2x128xi32, #tpu.memory_space<vmem>>, vector<1x1x16xi32>,
      %get3A_584 = vector.shape_cast %get3A_583 : vector<1x1x16xi32> to vector<16xi32>
      %and3A_585 = arith.constant -1024 : i32
      %and3A_586 = vector.broadcast %and3A_585 : i32 to vector<16xi32>
      %and3A_587 = arith.andi %get3A_584, %and3A_586 : vector<16xi32>
      %and3A_588 = arith.constant 127 : i32
      %and3A_589 = vector.broadcast %and3A_588 : i32 to vector<16xi32>
      %and3A_590 = arith.andi %get3A_584, %and3A_589 : vector<16xi32>
      %shift_left3A_591 = arith.constant 3 : i32
      %shift_left3A_592 = vector.broadcast %shift_left3A_591 : i32 to vector<16xi32>
      %shift_left3A_593 = arith.shli %and3A_590, %shift_left3A_592 : vector<16xi32>
      %or3A_594 = arith.ori %and3A_587, %shift_left3A_593 : vector<16xi32>
      %shift_right_arithmetic3A_595 = arith.constant 7 : i32
      %shift_right_arithmetic3A_596 = vector.broadcast %shift_right_arithmetic3A_595 : i32 to vector<16xi32>
      %shift_right_arithmetic3A_597 = arith.shrsi %get3A_584, %shift_right_arithmetic3A_596 : vector<16xi32>
      %and3A_598 = arith.constant 7 : i32
      %and3A_599 = vector.broadcast %and3A_598 : i32 to vector<16xi32>
      %and3A_600 = arith.andi %shift_right_arithmetic3A_597, %and3A_599 : vector<16xi32>
      %or3A_601 = arith.ori %or3A_594, %and3A_600 : vector<16xi32>
      %swap3A_602 = arith.constant 0 : i32
      %swap3A_603 = arith.index_cast %add3A_548 : i32 to index
      %swap3A_604 = arith.index_cast %swap3A_602 : i32 to index
      %swap3A_605 = arith.constant 16 : index
      %swap3A_606 = tpu.vector_load %arg5[%swap3A_603, %swap3A_604, %swap3A_605] {strides = array<i32>} : memref<80x2x128xi32, #tpu.memory_space<vmem>>, vector<1x1x16xi32>,
      %swap3A_607 = vector.shape_cast %swap3A_606 : vector<1x1x16xi32> to vector<16xi32>
      %swap3A_608 = vector.shape_cast %or3A_601 : vector<16xi32> to vector<1x1x16xi32>
      tpu.vector_store %arg5[%swap3A_603, %swap3A_604, %swap3A_605], %swap3A_608 {strides = array<i32>} : memref<80x2x128xi32, #tpu.memory_space<vmem>>, vector<1x1x16xi32>,
      %get3A_609 = arith.constant 0 : i32
      %get3A_610 = arith.index_cast %add3A_548 : i32 to index
      %get3A_611 = arith.index_cast %get3A_609 : i32 to index
      %get3A_612 = arith.constant 32 : index
      %get3A_613 = tpu.vector_load %arg5[%get3A_610, %get3A_611, %get3A_612] {strides = array<i32>} : memref<80x2x128xi32, #tpu.memory_space<vmem>>, vector<1x1x16xi32>,
      %get3A_614 = vector.shape_cast %get3A_613 : vector<1x1x16xi32> to vector<16xi32>
      %and3A_615 = arith.constant -1024 : i32
      %and3A_616 = vector.broadcast %and3A_615 : i32 to vector<16xi32>
      %and3A_617 = arith.andi %get3A_614, %and3A_616 : vector<16xi32>
      %and3A_618 = arith.constant 127 : i32
      %and3A_619 = vector.broadcast %and3A_618 : i32 to vector<16xi32>
      %and3A_620 = arith.andi %get3A_614, %and3A_619 : vector<16xi32>
      %shift_left3A_621 = arith.constant 3 : i32
      %shift_left3A_622 = vector.broadcast %shift_left3A_621 : i32 to vector<16xi32>
      %shift_left3A_623 = arith.shli %and3A_620, %shift_left3A_622 : vector<16xi32>
      %or3A_624 = arith.ori %and3A_617, %shift_left3A_623 : vector<16xi32>
      %shift_right_arithmetic3A_625 = arith.constant 7 : i32
      %shift_right_arithmetic3A_626 = vector.broadcast %shift_right_arithmetic3A_625 : i32 to vector<16xi32>
      %shift_right_arithmetic3A_627 = arith.shrsi %get3A_614, %shift_right_arithmetic3A_626 : vector<16xi32>
      %and3A_628 = arith.constant 7 : i32
      %and3A_629 = vector.broadcast %and3A_628 : i32 to vector<16xi32>
      %and3A_630 = arith.andi %shift_right_arithmetic3A_627, %and3A_629 : vector<16xi32>
      %or3A_631 = arith.ori %or3A_624, %and3A_630 : vector<16xi32>
      %swap3A_632 = arith.constant 0 : i32
      %swap3A_633 = arith.index_cast %add3A_548 : i32 to index
      %swap3A_634 = arith.index_cast %swap3A_632 : i32 to index
      %swap3A_635 = arith.constant 32 : index
      %swap3A_636 = tpu.vector_load %arg5[%swap3A_633, %swap3A_634, %swap3A_635] {strides = array<i32>} : memref<80x2x128xi32, #tpu.memory_space<vmem>>, vector<1x1x16xi32>,
      %swap3A_637 = vector.shape_cast %swap3A_636 : vector<1x1x16xi32> to vector<16xi32>
      %swap3A_638 = vector.shape_cast %or3A_631 : vector<16xi32> to vector<1x1x16xi32>
      tpu.vector_store %arg5[%swap3A_633, %swap3A_634, %swap3A_635], %swap3A_638 {strides = array<i32>} : memref<80x2x128xi32, #tpu.memory_space<vmem>>, vector<1x1x16xi32>,
      %get3A_639 = arith.constant 0 : i32
      %get3A_640 = arith.index_cast %add3A_548 : i32 to index
      %get3A_641 = arith.index_cast %get3A_639 : i32 to index
      %get3A_642 = arith.constant 48 : index
      %get3A_643 = tpu.vector_load %arg5[%get3A_640, %get3A_641, %get3A_642] {strides = array<i32>} : memref<80x2x128xi32, #tpu.memory_space<vmem>>, vector<1x1x16xi32>,
      %get3A_644 = vector.shape_cast %get3A_643 : vector<1x1x16xi32> to vector<16xi32>
      %and3A_645 = arith.constant -1024 : i32
      %and3A_646 = vector.broadcast %and3A_645 : i32 to vector<16xi32>
      %and3A_647 = arith.andi %get3A_644, %and3A_646 : vector<16xi32>
      %and3A_648 = arith.constant 127 : i32
      %and3A_649 = vector.broadcast %and3A_648 : i32 to vector<16xi32>
      %and3A_650 = arith.andi %get3A_644, %and3A_649 : vector<16xi32>
      %shift_left3A_651 = arith.constant 3 : i32
      %shift_left3A_652 = vector.broadcast %shift_left3A_651 : i32 to vector<16xi32>
      %shift_left3A_653 = arith.shli %and3A_650, %shift_left3A_652 : vector<16xi32>
      %or3A_654 = arith.ori %and3A_647, %shift_left3A_653 : vector<16xi32>
      %shift_right_arithmetic3A_655 = arith.constant 7 : i32
      %shift_right_arithmetic3A_656 = vector.broadcast %shift_right_arithmetic3A_655 : i32 to vector<16xi32>
      %shift_right_arithmetic3A_657 = arith.shrsi %get3A_644, %shift_right_arithmetic3A_656 : vector<16xi32>
      %and3A_658 = arith.constant 7 : i32
      %and3A_659 = vector.broadcast %and3A_658 : i32 to vector<16xi32>
      %and3A_660 = arith.andi %shift_right_arithmetic3A_657, %and3A_659 : vector<16xi32>
      %or3A_661 = arith.ori %or3A_654, %and3A_660 : vector<16xi32>
      %swap3A_662 = arith.constant 0 : i32
      %swap3A_663 = arith.index_cast %add3A_548 : i32 to index
      %swap3A_664 = arith.index_cast %swap3A_662 : i32 to index
      %swap3A_665 = arith.constant 48 : index
      %swap3A_666 = tpu.vector_load %arg5[%swap3A_663, %swap3A_664, %swap3A_665] {strides = array<i32>} : memref<80x2x128xi32, #tpu.memory_space<vmem>>, vector<1x1x16xi32>,
      %swap3A_667 = vector.shape_cast %swap3A_666 : vector<1x1x16xi32> to vector<16xi32>
      %swap3A_668 = vector.shape_cast %or3A_661 : vector<16xi32> to vector<1x1x16xi32>
      tpu.vector_store %arg5[%swap3A_663, %swap3A_664, %swap3A_665], %swap3A_668 {strides = array<i32>} : memref<80x2x128xi32, #tpu.memory_space<vmem>>, vector<1x1x16xi32>,
      %get3A_669 = arith.constant 0 : i32
      %get3A_670 = arith.index_cast %add3A_548 : i32 to index
      %get3A_671 = arith.index_cast %get3A_669 : i32 to index
      %get3A_672 = arith.constant 64 : index
      %get3A_673 = tpu.vector_load %arg5[%get3A_670, %get3A_671, %get3A_672] {strides = array<i32>} : memref<80x2x128xi32, #tpu.memory_space<vmem>>, vector<1x1x16xi32>,
      %get3A_674 = vector.shape_cast %get3A_673 : vector<1x1x16xi32> to vector<16xi32>
      %and3A_675 = arith.constant -1024 : i32
      %and3A_676 = vector.broadcast %and3A_675 : i32 to vector<16xi32>
      %and3A_677 = arith.andi %get3A_674, %and3A_676 : vector<16xi32>
      %and3A_678 = arith.constant 127 : i32
      %and3A_679 = vector.broadcast %and3A_678 : i32 to vector<16xi32>
      %and3A_680 = arith.andi %get3A_674, %and3A_679 : vector<16xi32>
      %shift_left3A_681 = arith.constant 3 : i32
      %shift_left3A_682 = vector.broadcast %shift_left3A_681 : i32 to vector<16xi32>
      %shift_left3A_683 = arith.shli %and3A_680, %shift_left3A_682 : vector<16xi32>
      %or3A_684 = arith.ori %and3A_677, %shift_left3A_683 : vector<16xi32>
      %shift_right_arithmetic3A_685 = arith.constant 7 : i32
      %shift_right_arithmetic3A_686 = vector.broadcast %shift_right_arithmetic3A_685 : i32 to vector<16xi32>
      %shift_right_arithmetic3A_687 = arith.shrsi %get3A_674, %shift_right_arithmetic3A_686 : vector<16xi32>
      %and3A_688 = arith.constant 7 : i32
      %and3A_689 = vector.broadcast %and3A_688 : i32 to vector<16xi32>
      %and3A_690 = arith.andi %shift_right_arithmetic3A_687, %and3A_689 : vector<16xi32>
      %or3A_691 = arith.ori %or3A_684, %and3A_690 : vector<16xi32>
      %swap3A_692 = arith.constant 0 : i32
      %swap3A_693 = arith.index_cast %add3A_548 : i32 to index
      %swap3A_694 = arith.index_cast %swap3A_692 : i32 to index
      %swap3A_695 = arith.constant 64 : index
      %swap3A_696 = tpu.vector_load %arg5[%swap3A_693, %swap3A_694, %swap3A_695] {strides = array<i32>} : memref<80x2x128xi32, #tpu.memory_space<vmem>>, vector<1x1x16xi32>,
      %swap3A_697 = vector.shape_cast %swap3A_696 : vector<1x1x16xi32> to vector<16xi32>
      %swap3A_698 = vector.shape_cast %or3A_691 : vector<16xi32> to vector<1x1x16xi32>
      tpu.vector_store %arg5[%swap3A_693, %swap3A_694, %swap3A_695], %swap3A_698 {strides = array<i32>} : memref<80x2x128xi32, #tpu.memory_space<vmem>>, vector<1x1x16xi32>,
      %get3A_699 = arith.constant 0 : i32
      %get3A_700 = arith.index_cast %add3A_548 : i32 to index
      %get3A_701 = arith.index_cast %get3A_699 : i32 to index
      %get3A_702 = arith.constant 80 : index
      %get3A_703 = tpu.vector_load %arg5[%get3A_700, %get3A_701, %get3A_702] {strides = array<i32>} : memref<80x2x128xi32, #tpu.memory_space<vmem>>, vector<1x1x16xi32>,
      %get3A_704 = vector.shape_cast %get3A_703 : vector<1x1x16xi32> to vector<16xi32>
      %and3A_705 = arith.constant -1024 : i32
      %and3A_706 = vector.broadcast %and3A_705 : i32 to vector<16xi32>
      %and3A_707 = arith.andi %get3A_704, %and3A_706 : vector<16xi32>
      %and3A_708 = arith.constant 127 : i32
      %and3A_709 = vector.broadcast %and3A_708 : i32 to vector<16xi32>
      %and3A_710 = arith.andi %get3A_704, %and3A_709 : vector<16xi32>
      %shift_left3A_711 = arith.constant 3 : i32
      %shift_left3A_712 = vector.broadcast %shift_left3A_711 : i32 to vector<16xi32>
      %shift_left3A_713 = arith.shli %and3A_710, %shift_left3A_712 : vector<16xi32>
      %or3A_714 = arith.ori %and3A_707, %shift_left3A_713 : vector<16xi32>
      %shift_right_arithmetic3A_715 = arith.constant 7 : i32
      %shift_right_arithmetic3A_716 = vector.broadcast %shift_right_arithmetic3A_715 : i32 to vector<16xi32>
      %shift_right_arithmetic3A_717 = arith.shrsi %get3A_704, %shift_right_arithmetic3A_716 : vector<16xi32>
      %and3A_718 = arith.constant 7 : i32
      %and3A_719 = vector.broadcast %and3A_718 : i32 to vector<16xi32>
      %and3A_720 = arith.andi %shift_right_arithmetic3A_717, %and3A_719 : vector<16xi32>
      %or3A_721 = arith.ori %or3A_714, %and3A_720 : vector<16xi32>
      %swap3A_722 = arith.constant 0 : i32
      %swap3A_723 = arith.index_cast %add3A_548 : i32 to index
      %swap3A_724 = arith.index_cast %swap3A_722 : i32 to index
      %swap3A_725 = arith.constant 80 : index
      %swap3A_726 = tpu.vector_load %arg5[%swap3A_723, %swap3A_724, %swap3A_725] {strides = array<i32>} : memref<80x2x128xi32, #tpu.memory_space<vmem>>, vector<1x1x16xi32>,
      %swap3A_727 = vector.shape_cast %swap3A_726 : vector<1x1x16xi32> to vector<16xi32>
      %swap3A_728 = vector.shape_cast %or3A_721 : vector<16xi32> to vector<1x1x16xi32>
      tpu.vector_store %arg5[%swap3A_723, %swap3A_724, %swap3A_725], %swap3A_728 {strides = array<i32>} : memref<80x2x128xi32, #tpu.memory_space<vmem>>, vector<1x1x16xi32>,
      %get3A_729 = arith.constant 0 : i32
      %get3A_730 = arith.index_cast %add3A_548 : i32 to index
      %get3A_731 = arith.index_cast %get3A_729 : i32 to index
      %get3A_732 = arith.constant 96 : index
      %get3A_733 = tpu.vector_load %arg5[%get3A_730, %get3A_731, %get3A_732] {strides = array<i32>} : memref<80x2x128xi32, #tpu.memory_space<vmem>>, vector<1x1x16xi32>,
      %get3A_734 = vector.shape_cast %get3A_733 : vector<1x1x16xi32> to vector<16xi32>
      %and3A_735 = arith.constant -1024 : i32
      %and3A_736 = vector.broadcast %and3A_735 : i32 to vector<16xi32>
      %and3A_737 = arith.andi %get3A_734, %and3A_736 : vector<16xi32>
      %and3A_738 = arith.constant 127 : i32
      %and3A_739 = vector.broadcast %and3A_738 : i32 to vector<16xi32>
      %and3A_740 = arith.andi %get3A_734, %and3A_739 : vector<16xi32>
      %shift_left3A_741 = arith.constant 3 : i32
      %shift_left3A_742 = vector.broadcast %shift_left3A_741 : i32 to vector<16xi32>
      %shift_left3A_743 = arith.shli %and3A_740, %shift_left3A_742 : vector<16xi32>
      %or3A_744 = arith.ori %and3A_737, %shift_left3A_743 : vector<16xi32>
      %shift_right_arithmetic3A_745 = arith.constant 7 : i32
      %shift_right_arithmetic3A_746 = vector.broadcast %shift_right_arithmetic3A_745 : i32 to vector<16xi32>
      %shift_right_arithmetic3A_747 = arith.shrsi %get3A_734, %shift_right_arithmetic3A_746 : vector<16xi32>
      %and3A_748 = arith.constant 7 : i32
      %and3A_749 = vector.broadcast %and3A_748 : i32 to vector<16xi32>
      %and3A_750 = arith.andi %shift_right_arithmetic3A_747, %and3A_749 : vector<16xi32>
      %or3A_751 = arith.ori %or3A_744, %and3A_750 : vector<16xi32>
      %swap3A_752 = arith.constant 0 : i32
      %swap3A_753 = arith.index_cast %add3A_548 : i32 to index
      %swap3A_754 = arith.index_cast %swap3A_752 : i32 to index
      %swap3A_755 = arith.constant 96 : index
      %swap3A_756 = tpu.vector_load %arg5[%swap3A_753, %swap3A_754, %swap3A_755] {strides = array<i32>} : memref<80x2x128xi32, #tpu.memory_space<vmem>>, vector<1x1x16xi32>,
      %swap3A_757 = vector.shape_cast %swap3A_756 : vector<1x1x16xi32> to vector<16xi32>
      %swap3A_758 = vector.shape_cast %or3A_751 : vector<16xi32> to vector<1x1x16xi32>
      tpu.vector_store %arg5[%swap3A_753, %swap3A_754, %swap3A_755], %swap3A_758 {strides = array<i32>} : memref<80x2x128xi32, #tpu.memory_space<vmem>>, vector<1x1x16xi32>,
      %get3A_759 = arith.constant 0 : i32
      %get3A_760 = arith.index_cast %add3A_548 : i32 to index
      %get3A_761 = arith.index_cast %get3A_759 : i32 to index
      %get3A_762 = arith.constant 112 : index
      %get3A_763 = tpu.vector_load %arg5[%get3A_760, %get3A_761, %get3A_762] {strides = array<i32>} : memref<80x2x128xi32, #tpu.memory_space<vmem>>, vector<1x1x16xi32>,
      %get3A_764 = vector.shape_cast %get3A_763 : vector<1x1x16xi32> to vector<16xi32>
      %and3A_765 = arith.constant -1024 : i32
      %and3A_766 = vector.broadcast %and3A_765 : i32 to vector<16xi32>
      %and3A_767 = arith.andi %get3A_764, %and3A_766 : vector<16xi32>
      %and3A_768 = arith.constant 127 : i32
      %and3A_769 = vector.broadcast %and3A_768 : i32 to vector<16xi32>
      %and3A_770 = arith.andi %get3A_764, %and3A_769 : vector<16xi32>
      %shift_left3A_771 = arith.constant 3 : i32
      %shift_left3A_772 = vector.broadcast %shift_left3A_771 : i32 to vector<16xi32>
      %shift_left3A_773 = arith.shli %and3A_770, %shift_left3A_772 : vector<16xi32>
      %or3A_774 = arith.ori %and3A_767, %shift_left3A_773 : vector<16xi32>
      %shift_right_arithmetic3A_775 = arith.constant 7 : i32
      %shift_right_arithmetic3A_776 = vector.broadcast %shift_right_arithmetic3A_775 : i32 to vector<16xi32>
      %shift_right_arithmetic3A_777 = arith.shrsi %get3A_764, %shift_right_arithmetic3A_776 : vector<16xi32>
      %and3A_778 = arith.constant 7 : i32
      %and3A_779 = vector.broadcast %and3A_778 : i32 to vector<16xi32>
      %and3A_780 = arith.andi %shift_right_arithmetic3A_777, %and3A_779 : vector<16xi32>
      %or3A_781 = arith.ori %or3A_774, %and3A_780 : vector<16xi32>
      %swap3A_782 = arith.constant 0 : i32
      %swap3A_783 = arith.index_cast %add3A_548 : i32 to index
      %swap3A_784 = arith.index_cast %swap3A_782 : i32 to index
      %swap3A_785 = arith.constant 112 : index
      %swap3A_786 = tpu.vector_load %arg5[%swap3A_783, %swap3A_784, %swap3A_785] {strides = array<i32>} : memref<80x2x128xi32, #tpu.memory_space<vmem>>, vector<1x1x16xi32>,
      %swap3A_787 = vector.shape_cast %swap3A_786 : vector<1x1x16xi32> to vector<16xi32>
      %swap3A_788 = vector.shape_cast %or3A_781 : vector<16xi32> to vector<1x1x16xi32>
      tpu.vector_store %arg5[%swap3A_783, %swap3A_784, %swap3A_785], %swap3A_788 {strides = array<i32>} : memref<80x2x128xi32, #tpu.memory_space<vmem>>, vector<1x1x16xi32>,
      %get3A_789 = arith.constant 1 : i32
      %get3A_790 = arith.index_cast %add3A_548 : i32 to index
      %get3A_791 = arith.index_cast %get3A_789 : i32 to index
      %get3A_792 = arith.constant 0 : index
      %get3A_793 = tpu.vector_load %arg5[%get3A_790, %get3A_791, %get3A_792] {strides = array<i32>} : memref<80x2x128xi32, #tpu.memory_space<vmem>>, vector<1x1x16xi32>,
      %get3A_794 = vector.shape_cast %get3A_793 : vector<1x1x16xi32> to vector<16xi32>
      %and3A_795 = arith.constant -1024 : i32
      %and3A_796 = vector.broadcast %and3A_795 : i32 to vector<16xi32>
      %and3A_797 = arith.andi %get3A_794, %and3A_796 : vector<16xi32>
      %and3A_798 = arith.constant 127 : i32
      %and3A_799 = vector.broadcast %and3A_798 : i32 to vector<16xi32>
      %and3A_800 = arith.andi %get3A_794, %and3A_799 : vector<16xi32>
      %shift_left3A_801 = arith.constant 3 : i32
      %shift_left3A_802 = vector.broadcast %shift_left3A_801 : i32 to vector<16xi32>
      %shift_left3A_803 = arith.shli %and3A_800, %shift_left3A_802 : vector<16xi32>
      %or3A_804 = arith.ori %and3A_797, %shift_left3A_803 : vector<16xi32>
      %shift_right_arithmetic3A_805 = arith.constant 7 : i32
      %shift_right_arithmetic3A_806 = vector.broadcast %shift_right_arithmetic3A_805 : i32 to vector<16xi32>
      %shift_right_arithmetic3A_807 = arith.shrsi %get3A_794, %shift_right_arithmetic3A_806 : vector<16xi32>
      %and3A_808 = arith.constant 7 : i32
      %and3A_809 = vector.broadcast %and3A_808 : i32 to vector<16xi32>
      %and3A_810 = arith.andi %shift_right_arithmetic3A_807, %and3A_809 : vector<16xi32>
      %or3A_811 = arith.ori %or3A_804, %and3A_810 : vector<16xi32>
      %swap3A_812 = arith.constant 1 : i32
      %swap3A_813 = arith.index_cast %add3A_548 : i32 to index
      %swap3A_814 = arith.index_cast %swap3A_812 : i32 to index
      %swap3A_815 = arith.constant 0 : index
      %swap3A_816 = tpu.vector_load %arg5[%swap3A_813, %swap3A_814, %swap3A_815] {strides = array<i32>} : memref<80x2x128xi32, #tpu.memory_space<vmem>>, vector<1x1x16xi32>,
      %swap3A_817 = vector.shape_cast %swap3A_816 : vector<1x1x16xi32> to vector<16xi32>
      %swap3A_818 = vector.shape_cast %or3A_811 : vector<16xi32> to vector<1x1x16xi32>
      tpu.vector_store %arg5[%swap3A_813, %swap3A_814, %swap3A_815], %swap3A_818 {strides = array<i32>} : memref<80x2x128xi32, #tpu.memory_space<vmem>>, vector<1x1x16xi32>,
      %get3A_819 = arith.constant 1 : i32
      %get3A_820 = arith.index_cast %add3A_548 : i32 to index
      %get3A_821 = arith.index_cast %get3A_819 : i32 to index
      %get3A_822 = arith.constant 16 : index
      %get3A_823 = tpu.vector_load %arg5[%get3A_820, %get3A_821, %get3A_822] {strides = array<i32>} : memref<80x2x128xi32, #tpu.memory_space<vmem>>, vector<1x1x16xi32>,
      %get3A_824 = vector.shape_cast %get3A_823 : vector<1x1x16xi32> to vector<16xi32>
      %and3A_825 = arith.constant -1024 : i32
      %and3A_826 = vector.broadcast %and3A_825 : i32 to vector<16xi32>
      %and3A_827 = arith.andi %get3A_824, %and3A_826 : vector<16xi32>
      %and3A_828 = arith.constant 127 : i32
      %and3A_829 = vector.broadcast %and3A_828 : i32 to vector<16xi32>
      %and3A_830 = arith.andi %get3A_824, %and3A_829 : vector<16xi32>
      %shift_left3A_831 = arith.constant 3 : i32
      %shift_left3A_832 = vector.broadcast %shift_left3A_831 : i32 to vector<16xi32>
      %shift_left3A_833 = arith.shli %and3A_830, %shift_left3A_832 : vector<16xi32>
      %or3A_834 = arith.ori %and3A_827, %shift_left3A_833 : vector<16xi32>
      %shift_right_arithmetic3A_835 = arith.constant 7 : i32
      %shift_right_arithmetic3A_836 = vector.broadcast %shift_right_arithmetic3A_835 : i32 to vector<16xi32>
      %shift_right_arithmetic3A_837 = arith.shrsi %get3A_824, %shift_right_arithmetic3A_836 : vector<16xi32>
      %and3A_838 = arith.constant 7 : i32
      %and3A_839 = vector.broadcast %and3A_838 : i32 to vector<16xi32>
      %and3A_840 = arith.andi %shift_right_arithmetic3A_837, %and3A_839 : vector<16xi32>
      %or3A_841 = arith.ori %or3A_834, %and3A_840 : vector<16xi32>
      %swap3A_842 = arith.constant 1 : i32
      %swap3A_843 = arith.index_cast %add3A_548 : i32 to index
      %swap3A_844 = arith.index_cast %swap3A_842 : i32 to index
      %swap3A_845 = arith.constant 16 : index
      %swap3A_846 = tpu.vector_load %arg5[%swap3A_843, %swap3A_844, %swap3A_845] {strides = array<i32>} : memref<80x2x128xi32, #tpu.memory_space<vmem>>, vector<1x1x16xi32>,
      %swap3A_847 = vector.shape_cast %swap3A_846 : vector<1x1x16xi32> to vector<16xi32>
      %swap3A_848 = vector.shape_cast %or3A_841 : vector<16xi32> to vector<1x1x16xi32>
      tpu.vector_store %arg5[%swap3A_843, %swap3A_844, %swap3A_845], %swap3A_848 {strides = array<i32>} : memref<80x2x128xi32, #tpu.memory_space<vmem>>, vector<1x1x16xi32>,
      %get3A_849 = arith.constant 1 : i32
      %get3A_850 = arith.index_cast %add3A_548 : i32 to index
      %get3A_851 = arith.index_cast %get3A_849 : i32 to index
      %get3A_852 = arith.constant 32 : index
      %get3A_853 = tpu.vector_load %arg5[%get3A_850, %get3A_851, %get3A_852] {strides = array<i32>} : memref<80x2x128xi32, #tpu.memory_space<vmem>>, vector<1x1x16xi32>,
      %get3A_854 = vector.shape_cast %get3A_853 : vector<1x1x16xi32> to vector<16xi32>
      %and3A_855 = arith.constant -1024 : i32
      %and3A_856 = vector.broadcast %and3A_855 : i32 to vector<16xi32>
      %and3A_857 = arith.andi %get3A_854, %and3A_856 : vector<16xi32>
      %and3A_858 = arith.constant 127 : i32
      %and3A_859 = vector.broadcast %and3A_858 : i32 to vector<16xi32>
      %and3A_860 = arith.andi %get3A_854, %and3A_859 : vector<16xi32>
      %shift_left3A_861 = arith.constant 3 : i32
      %shift_left3A_862 = vector.broadcast %shift_left3A_861 : i32 to vector<16xi32>
      %shift_left3A_863 = arith.shli %and3A_860, %shift_left3A_862 : vector<16xi32>
      %or3A_864 = arith.ori %and3A_857, %shift_left3A_863 : vector<16xi32>
      %shift_right_arithmetic3A_865 = arith.constant 7 : i32
      %shift_right_arithmetic3A_866 = vector.broadcast %shift_right_arithmetic3A_865 : i32 to vector<16xi32>
      %shift_right_arithmetic3A_867 = arith.shrsi %get3A_854, %shift_right_arithmetic3A_866 : vector<16xi32>
      %and3A_868 = arith.constant 7 : i32
      %and3A_869 = vector.broadcast %and3A_868 : i32 to vector<16xi32>
      %and3A_870 = arith.andi %shift_right_arithmetic3A_867, %and3A_869 : vector<16xi32>
      %or3A_871 = arith.ori %or3A_864, %and3A_870 : vector<16xi32>
      %swap3A_872 = arith.constant 1 : i32
      %swap3A_873 = arith.index_cast %add3A_548 : i32 to index
      %swap3A_874 = arith.index_cast %swap3A_872 : i32 to index
      %swap3A_875 = arith.constant 32 : index
      %swap3A_876 = tpu.vector_load %arg5[%swap3A_873, %swap3A_874, %swap3A_875] {strides = array<i32>} : memref<80x2x128xi32, #tpu.memory_space<vmem>>, vector<1x1x16xi32>,
      %swap3A_877 = vector.shape_cast %swap3A_876 : vector<1x1x16xi32> to vector<16xi32>
      %swap3A_878 = vector.shape_cast %or3A_871 : vector<16xi32> to vector<1x1x16xi32>
      tpu.vector_store %arg5[%swap3A_873, %swap3A_874, %swap3A_875], %swap3A_878 {strides = array<i32>} : memref<80x2x128xi32, #tpu.memory_space<vmem>>, vector<1x1x16xi32>,
      %get3A_879 = arith.constant 1 : i32
      %get3A_880 = arith.index_cast %add3A_548 : i32 to index
      %get3A_881 = arith.index_cast %get3A_879 : i32 to index
      %get3A_882 = arith.constant 48 : index
      %get3A_883 = tpu.vector_load %arg5[%get3A_880, %get3A_881, %get3A_882] {strides = array<i32>} : memref<80x2x128xi32, #tpu.memory_space<vmem>>, vector<1x1x16xi32>,
      %get3A_884 = vector.shape_cast %get3A_883 : vector<1x1x16xi32> to vector<16xi32>
      %and3A_885 = arith.constant -1024 : i32
      %and3A_886 = vector.broadcast %and3A_885 : i32 to vector<16xi32>
      %and3A_887 = arith.andi %get3A_884, %and3A_886 : vector<16xi32>
      %and3A_888 = arith.constant 127 : i32
      %and3A_889 = vector.broadcast %and3A_888 : i32 to vector<16xi32>
      %and3A_890 = arith.andi %get3A_884, %and3A_889 : vector<16xi32>
      %shift_left3A_891 = arith.constant 3 : i32
      %shift_left3A_892 = vector.broadcast %shift_left3A_891 : i32 to vector<16xi32>
      %shift_left3A_893 = arith.shli %and3A_890, %shift_left3A_892 : vector<16xi32>
      %or3A_894 = arith.ori %and3A_887, %shift_left3A_893 : vector<16xi32>
      %shift_right_arithmetic3A_895 = arith.constant 7 : i32
      %shift_right_arithmetic3A_896 = vector.broadcast %shift_right_arithmetic3A_895 : i32 to vector<16xi32>
      %shift_right_arithmetic3A_897 = arith.shrsi %get3A_884, %shift_right_arithmetic3A_896 : vector<16xi32>
      %and3A_898 = arith.constant 7 : i32
      %and3A_899 = vector.broadcast %and3A_898 : i32 to vector<16xi32>
      %and3A_900 = arith.andi %shift_right_arithmetic3A_897, %and3A_899 : vector<16xi32>
      %or3A_901 = arith.ori %or3A_894, %and3A_900 : vector<16xi32>
      %swap3A_902 = arith.constant 1 : i32
      %swap3A_903 = arith.index_cast %add3A_548 : i32 to index
      %swap3A_904 = arith.index_cast %swap3A_902 : i32 to index
      %swap3A_905 = arith.constant 48 : index
      %swap3A_906 = tpu.vector_load %arg5[%swap3A_903, %swap3A_904, %swap3A_905] {strides = array<i32>} : memref<80x2x128xi32, #tpu.memory_space<vmem>>, vector<1x1x16xi32>,
      %swap3A_907 = vector.shape_cast %swap3A_906 : vector<1x1x16xi32> to vector<16xi32>
      %swap3A_908 = vector.shape_cast %or3A_901 : vector<16xi32> to vector<1x1x16xi32>
      tpu.vector_store %arg5[%swap3A_903, %swap3A_904, %swap3A_905], %swap3A_908 {strides = array<i32>} : memref<80x2x128xi32, #tpu.memory_space<vmem>>, vector<1x1x16xi32>,
      %get3A_909 = arith.constant 1 : i32
      %get3A_910 = arith.index_cast %add3A_548 : i32 to index
      %get3A_911 = arith.index_cast %get3A_909 : i32 to index
      %get3A_912 = arith.constant 64 : index
      %get3A_913 = tpu.vector_load %arg5[%get3A_910, %get3A_911, %get3A_912] {strides = array<i32>} : memref<80x2x128xi32, #tpu.memory_space<vmem>>, vector<1x1x16xi32>,
      %get3A_914 = vector.shape_cast %get3A_913 : vector<1x1x16xi32> to vector<16xi32>
      %and3A_915 = arith.constant -1024 : i32
      %and3A_916 = vector.broadcast %and3A_915 : i32 to vector<16xi32>
      %and3A_917 = arith.andi %get3A_914, %and3A_916 : vector<16xi32>
      %and3A_918 = arith.constant 127 : i32
      %and3A_919 = vector.broadcast %and3A_918 : i32 to vector<16xi32>
      %and3A_920 = arith.andi %get3A_914, %and3A_919 : vector<16xi32>
      %shift_left3A_921 = arith.constant 3 : i32
      %shift_left3A_922 = vector.broadcast %shift_left3A_921 : i32 to vector<16xi32>
      %shift_left3A_923 = arith.shli %and3A_920, %shift_left3A_922 : vector<16xi32>
      %or3A_924 = arith.ori %and3A_917, %shift_left3A_923 : vector<16xi32>
      %shift_right_arithmetic3A_925 = arith.constant 7 : i32
      %shift_right_arithmetic3A_926 = vector.broadcast %shift_right_arithmetic3A_925 : i32 to vector<16xi32>
      %shift_right_arithmetic3A_927 = arith.shrsi %get3A_914, %shift_right_arithmetic3A_926 : vector<16xi32>
      %and3A_928 = arith.constant 7 : i32
      %and3A_929 = vector.broadcast %and3A_928 : i32 to vector<16xi32>
      %and3A_930 = arith.andi %shift_right_arithmetic3A_927, %and3A_929 : vector<16xi32>
      %or3A_931 = arith.ori %or3A_924, %and3A_930 : vector<16xi32>
      %swap3A_932 = arith.constant 1 : i32
      %swap3A_933 = arith.index_cast %add3A_548 : i32 to index
      %swap3A_934 = arith.index_cast %swap3A_932 : i32 to index
      %swap3A_935 = arith.constant 64 : index
      %swap3A_936 = tpu.vector_load %arg5[%swap3A_933, %swap3A_934, %swap3A_935] {strides = array<i32>} : memref<80x2x128xi32, #tpu.memory_space<vmem>>, vector<1x1x16xi32>,
      %swap3A_937 = vector.shape_cast %swap3A_936 : vector<1x1x16xi32> to vector<16xi32>
      %swap3A_938 = vector.shape_cast %or3A_931 : vector<16xi32> to vector<1x1x16xi32>
      tpu.vector_store %arg5[%swap3A_933, %swap3A_934, %swap3A_935], %swap3A_938 {strides = array<i32>} : memref<80x2x128xi32, #tpu.memory_space<vmem>>, vector<1x1x16xi32>,
      %get3A_939 = arith.constant 1 : i32
      %get3A_940 = arith.index_cast %add3A_548 : i32 to index
      %get3A_941 = arith.index_cast %get3A_939 : i32 to index
      %get3A_942 = arith.constant 80 : index
      %get3A_943 = tpu.vector_load %arg5[%get3A_940, %get3A_941, %get3A_942] {strides = array<i32>} : memref<80x2x128xi32, #tpu.memory_space<vmem>>, vector<1x1x16xi32>,
      %get3A_944 = vector.shape_cast %get3A_943 : vector<1x1x16xi32> to vector<16xi32>
      %and3A_945 = arith.constant -1024 : i32
      %and3A_946 = vector.broadcast %and3A_945 : i32 to vector<16xi32>
      %and3A_947 = arith.andi %get3A_944, %and3A_946 : vector<16xi32>
      %and3A_948 = arith.constant 127 : i32
      %and3A_949 = vector.broadcast %and3A_948 : i32 to vector<16xi32>
      %and3A_950 = arith.andi %get3A_944, %and3A_949 : vector<16xi32>
      %shift_left3A_951 = arith.constant 3 : i32
      %shift_left3A_952 = vector.broadcast %shift_left3A_951 : i32 to vector<16xi32>
      %shift_left3A_953 = arith.shli %and3A_950, %shift_left3A_952 : vector<16xi32>
      %or3A_954 = arith.ori %and3A_947, %shift_left3A_953 : vector<16xi32>
      %shift_right_arithmetic3A_955 = arith.constant 7 : i32
      %shift_right_arithmetic3A_956 = vector.broadcast %shift_right_arithmetic3A_955 : i32 to vector<16xi32>
      %shift_right_arithmetic3A_957 = arith.shrsi %get3A_944, %shift_right_arithmetic3A_956 : vector<16xi32>
      %and3A_958 = arith.constant 7 : i32
      %and3A_959 = vector.broadcast %and3A_958 : i32 to vector<16xi32>
      %and3A_960 = arith.andi %shift_right_arithmetic3A_957, %and3A_959 : vector<16xi32>
      %or3A_961 = arith.ori %or3A_954, %and3A_960 : vector<16xi32>
      %swap3A_962 = arith.constant 1 : i32
      %swap3A_963 = arith.index_cast %add3A_548 : i32 to index
      %swap3A_964 = arith.index_cast %swap3A_962 : i32 to index
      %swap3A_965 = arith.constant 80 : index
      %swap3A_966 = tpu.vector_load %arg5[%swap3A_963, %swap3A_964, %swap3A_965] {strides = array<i32>} : memref<80x2x128xi32, #tpu.memory_space<vmem>>, vector<1x1x16xi32>,
      %swap3A_967 = vector.shape_cast %swap3A_966 : vector<1x1x16xi32> to vector<16xi32>
      %swap3A_968 = vector.shape_cast %or3A_961 : vector<16xi32> to vector<1x1x16xi32>
      tpu.vector_store %arg5[%swap3A_963, %swap3A_964, %swap3A_965], %swap3A_968 {strides = array<i32>} : memref<80x2x128xi32, #tpu.memory_space<vmem>>, vector<1x1x16xi32>,
      %get3A_969 = arith.constant 1 : i32
      %get3A_970 = arith.index_cast %add3A_548 : i32 to index
      %get3A_971 = arith.index_cast %get3A_969 : i32 to index
      %get3A_972 = arith.constant 96 : index
      %get3A_973 = tpu.vector_load %arg5[%get3A_970, %get3A_971, %get3A_972] {strides = array<i32>} : memref<80x2x128xi32, #tpu.memory_space<vmem>>, vector<1x1x16xi32>,
      %get3A_974 = vector.shape_cast %get3A_973 : vector<1x1x16xi32> to vector<16xi32>
      %and3A_975 = arith.constant -1024 : i32
      %and3A_976 = vector.broadcast %and3A_975 : i32 to vector<16xi32>
      %and3A_977 = arith.andi %get3A_974, %and3A_976 : vector<16xi32>
      %and3A_978 = arith.constant 127 : i32
      %and3A_979 = vector.broadcast %and3A_978 : i32 to vector<16xi32>
      %and3A_980 = arith.andi %get3A_974, %and3A_979 : vector<16xi32>
      %shift_left3A_981 = arith.constant 3 : i32
      %shift_left3A_982 = vector.broadcast %shift_left3A_981 : i32 to vector<16xi32>
      %shift_left3A_983 = arith.shli %and3A_980, %shift_left3A_982 : vector<16xi32>
      %or3A_984 = arith.ori %and3A_977, %shift_left3A_983 : vector<16xi32>
      %shift_right_arithmetic3A_985 = arith.constant 7 : i32
      %shift_right_arithmetic3A_986 = vector.broadcast %shift_right_arithmetic3A_985 : i32 to vector<16xi32>
      %shift_right_arithmetic3A_987 = arith.shrsi %get3A_974, %shift_right_arithmetic3A_986 : vector<16xi32>
      %and3A_988 = arith.constant 7 : i32
      %and3A_989 = vector.broadcast %and3A_988 : i32 to vector<16xi32>
      %and3A_990 = arith.andi %shift_right_arithmetic3A_987, %and3A_989 : vector<16xi32>
      %or3A_991 = arith.ori %or3A_984, %and3A_990 : vector<16xi32>
      %swap3A_992 = arith.constant 1 : i32
      %swap3A_993 = arith.index_cast %add3A_548 : i32 to index
      %swap3A_994 = arith.index_cast %swap3A_992 : i32 to index
      %swap3A_995 = arith.constant 96 : index
      %swap3A_996 = tpu.vector_load %arg5[%swap3A_993, %swap3A_994, %swap3A_995] {strides = array<i32>} : memref<80x2x128xi32, #tpu.memory_space<vmem>>, vector<1x1x16xi32>,
      %swap3A_997 = vector.shape_cast %swap3A_996 : vector<1x1x16xi32> to vector<16xi32>
      %swap3A_998 = vector.shape_cast %or3A_991 : vector<16xi32> to vector<1x1x16xi32>
      tpu.vector_store %arg5[%swap3A_993, %swap3A_994, %swap3A_995], %swap3A_998 {strides = array<i32>} : memref<80x2x128xi32, #tpu.memory_space<vmem>>, vector<1x1x16xi32>,
      %get3A_999 = arith.constant 1 : i32
      %get3A_1000 = arith.index_cast %add3A_548 : i32 to index
      %get3A_1001 = arith.index_cast %get3A_999 : i32 to index
      %get3A_1002 = arith.constant 112 : index
      %get3A_1003 = tpu.vector_load %arg5[%get3A_1000, %get3A_1001, %get3A_1002] {strides = array<i32>} : memref<80x2x128xi32, #tpu.memory_space<vmem>>, vector<1x1x16xi32>,
      %get3A_1004 = vector.shape_cast %get3A_1003 : vector<1x1x16xi32> to vector<16xi32>
      %and3A_1005 = arith.constant -1024 : i32
      %and3A_1006 = vector.broadcast %and3A_1005 : i32 to vector<16xi32>
      %and3A_1007 = arith.andi %get3A_1004, %and3A_1006 : vector<16xi32>
      %and3A_1008 = arith.constant 127 : i32
      %and3A_1009 = vector.broadcast %and3A_1008 : i32 to vector<16xi32>
      %and3A_1010 = arith.andi %get3A_1004, %and3A_1009 : vector<16xi32>
      %shift_left3A_1011 = arith.constant 3 : i32
      %shift_left3A_1012 = vector.broadcast %shift_left3A_1011 : i32 to vector<16xi32>
      %shift_left3A_1013 = arith.shli %and3A_1010, %shift_left3A_1012 : vector<16xi32>
      %or3A_1014 = arith.ori %and3A_1007, %shift_left3A_1013 : vector<16xi32>
      %shift_right_arithmetic3A_1015 = arith.constant 7 : i32
      %shift_right_arithmetic3A_1016 = vector.broadcast %shift_right_arithmetic3A_1015 : i32 to vector<16xi32>
      %shift_right_arithmetic3A_1017 = arith.shrsi %get3A_1004, %shift_right_arithmetic3A_1016 : vector<16xi32>
      %and3A_1018 = arith.constant 7 : i32
      %and3A_1019 = vector.broadcast %and3A_1018 : i32 to vector<16xi32>
      %and3A_1020 = arith.andi %shift_right_arithmetic3A_1017, %and3A_1019 : vector<16xi32>
      %or3A_1021 = arith.ori %or3A_1014, %and3A_1020 : vector<16xi32>
      %swap3A_1022 = arith.constant 1 : i32
      %swap3A_1023 = arith.index_cast %add3A_548 : i32 to index
      %swap3A_1024 = arith.index_cast %swap3A_1022 : i32 to index
      %swap3A_1025 = arith.constant 112 : index
      %swap3A_1026 = tpu.vector_load %arg5[%swap3A_1023, %swap3A_1024, %swap3A_1025] {strides = array<i32>} : memref<80x2x128xi32, #tpu.memory_space<vmem>>, vector<1x1x16xi32>,
      %swap3A_1027 = vector.shape_cast %swap3A_1026 : vector<1x1x16xi32> to vector<16xi32>
      %swap3A_1028 = vector.shape_cast %or3A_1021 : vector<16xi32> to vector<1x1x16xi32>
      tpu.vector_store %arg5[%swap3A_1023, %swap3A_1024, %swap3A_1025], %swap3A_1028 {strides = array<i32>} : memref<80x2x128xi32, #tpu.memory_space<vmem>>, vector<1x1x16xi32>,
      %dma_wait3A = arith.constant 0 : i32
      %dma_wait3A_1029 = arith.constant 0 : i32
      %dma_wait3A_1030 = tpu.memref_slice %arg5[%while3A_540, %dma_wait3A, %dma_wait3A_1029] : memref<80x2x128xi32, #tpu.memory_space<vmem>> -> memref<1x1x128xi32, #tpu.memory_space<vmem>>
      %dma_wait3A_1031 = tpu.memref_squeeze %dma_wait3A_1030 : memref<1x1x128xi32, #tpu.memory_space<vmem>> -> memref<128xi32, #tpu.memory_space<vmem>>
      %dma_wait3A_1032 = arith.constant 0 : i32
      %dma_wait3A_1033 = arith.constant 0 : i32
      %dma_wait3A_1034 = tpu.memref_slice %arg2[%dma_wait3A_1032, %dma_wait3A_1033] : memref<10240x16xf32, #tpu.memory_space<hbm>> -> memref<10240x16xf32, #tpu.memory_space<hbm>>
      tpu.wait_indirect_dma semaphore(%arg9 : memref<!tpu.dma_semaphore, #tpu.memory_space<semaphore_mem>>) src(%dma_wait3A_1034 : memref<10240x16xf32, #tpu.memory_space<hbm>>) dst(%arg6 : memref<128x16xf32, #tpu.memory_space<vmem>>)
      %run_scoped3A = arith.constant 1 : i32
      "tpu.region"() ({
        %run_scoped3A_1035 = tpu.sem_alloc : memref<!tpu.dma_semaphore, #tpu.memory_space<semaphore_mem>>
        %dma_start3A_1036 = arith.constant 0 : i32
        %dma_start3A_1037 = tpu.memref_slice %arg5[%while3A_540, %run_scoped3A, %dma_start3A_1036] : memref<80x2x128xi32, #tpu.memory_space<vmem>> -> memref<1x1x128xi32, #tpu.memory_space<vmem>>
        %dma_start3A_1038 = tpu.memref_squeeze %dma_start3A_1037 : memref<1x1x128xi32, #tpu.memory_space<vmem>> -> memref<128xi32, #tpu.memory_space<vmem>>
        %dma_start3A_1039 = arith.constant 0 : i32
        %dma_start3A_1040 = arith.constant 0 : i32
        %dma_start3A_1041 = tpu.memref_slice %arg8[%dma_start3A_1039, %dma_start3A_1040] : memref<10240x16xf32, #tpu.memory_space<vmem_shared>> -> memref<10240x16xf32, #tpu.memory_space<vmem_shared>>
        tpu.enqueue_indirect_dma source(%arg6 : memref<128x16xf32, #tpu.memory_space<vmem>>) target(%dma_start3A_1041 : memref<10240x16xf32, #tpu.memory_space<vmem_shared>>) offsets(%dma_start3A_1038 : memref<128xi32, #tpu.memory_space<vmem>>) semaphore(%run_scoped3A_1035 : memref<!tpu.dma_semaphore, #tpu.memory_space<semaphore_mem>>) {add = true}
        %dma_wait3A_1042 = arith.constant 0 : i32
        %dma_wait3A_1043 = tpu.memref_slice %arg5[%while3A_540, %run_scoped3A, %dma_wait3A_1042] : memref<80x2x128xi32, #tpu.memory_space<vmem>> -> memref<1x1x128xi32, #tpu.memory_space<vmem>>
        %dma_wait3A_1044 = tpu.memref_squeeze %dma_wait3A_1043 : memref<1x1x128xi32, #tpu.memory_space<vmem>> -> memref<128xi32, #tpu.memory_space<vmem>>
        %dma_wait3A_1045 = arith.constant 0 : i32
        %dma_wait3A_1046 = arith.constant 0 : i32
        %dma_wait3A_1047 = tpu.memref_slice %arg8[%dma_wait3A_1045, %dma_wait3A_1046] : memref<10240x16xf32, #tpu.memory_space<vmem_shared>> -> memref<10240x16xf32, #tpu.memory_space<vmem_shared>>
        tpu.wait_indirect_dma semaphore(%run_scoped3A_1035 : memref<!tpu.dma_semaphore, #tpu.memory_space<semaphore_mem>>) src(%arg6 : memref<128x16xf32, #tpu.memory_space<vmem>>) dst(%dma_wait3A_1047 : memref<10240x16xf32, #tpu.memory_space<vmem_shared>>)
        tpu.yield
      }) : () -> ()
    }
    %barrier3A_532 = arith.constant 0 : index
    tpu.barrier barrier_id(%barrier3A_532)
    %mul3A_533 = arith.constant 640 : i32
    %mul3A_534 = arith.muli %arg1, %mul3A_533 : i32
    %mul3A_535 = arith.constant 10240 : i32
    %mul3A_536 = arith.muli %arg0, %mul3A_535 : i32
    %mul3A_537 = arith.constant 640 : i32
    %mul3A_538 = arith.muli %arg1, %mul3A_537 : i32
    %add3A_539 = arith.addi %mul3A_536, %mul3A_538 : i32
    "tpu.region"() ({
      %run_scoped3A = tpu.sem_alloc : memref<!tpu.dma_semaphore, #tpu.memory_space<semaphore_mem>>
      %dma_start3A = arith.constant 0 : i32
      %dma_start3A_540 = tpu.memref_slice %arg4[%add3A_539, %dma_start3A] : memref<20480x16xf32, #tpu.memory_space<hbm>> -> memref<640x16xf32, #tpu.memory_space<hbm>>
      %dma_start3A_541 = arith.constant 0 : i32
      %dma_start3A_542 = tpu.memref_slice %arg8[%mul3A_534, %dma_start3A_541] : memref<10240x16xf32, #tpu.memory_space<vmem_shared>> -> memref<640x16xf32, #tpu.memory_space<vmem_shared>>
      tpu.enqueue_dma source(%dma_start3A_542 : memref<640x16xf32, #tpu.memory_space<vmem_shared>>) target(%dma_start3A_540 : memref<640x16xf32, #tpu.memory_space<hbm>>) target_semaphore(%run_scoped3A : memref<!tpu.dma_semaphore, #tpu.memory_space<semaphore_mem>>)
      %dma_wait3A = arith.constant 0 : i32
      %dma_wait3A_543 = tpu.memref_slice %arg4[%add3A_539, %dma_wait3A] : memref<20480x16xf32, #tpu.memory_space<hbm>> -> memref<640x16xf32, #tpu.memory_space<hbm>>
      %dma_wait3A_544 = arith.constant 0 : i32
      %dma_wait3A_545 = tpu.memref_slice %arg8[%mul3A_534, %dma_wait3A_544] : memref<10240x16xf32, #tpu.memory_space<vmem_shared>> -> memref<640x16xf32, #tpu.memory_space<vmem_shared>>
      tpu.wait_dma2 semaphore(%run_scoped3A : memref<!tpu.dma_semaphore, #tpu.memory_space<semaphore_mem>>) src(%dma_wait3A_545 : memref<640x16xf32, #tpu.memory_space<vmem_shared>>) dst(%dma_wait3A_543 : memref<640x16xf32, #tpu.memory_space<hbm>>)
      tpu.yield
    }) : () -> ()
    return
  }
}

module attributes {stable_mosaic.version = 14 : i64} {
  func.func @_post_body(%arg0: i32, %arg1: memref<128x128xf32, #tpu.memory_space<vmem>>, %arg2: memref<128x128xf32, #tpu.memory_space<vmem>>, %arg3: memref<128x128xf32, #tpu.memory_space<vmem>>, %arg4: memref<16x128xf32, #tpu.memory_space<vmem>>, %arg5: memref<1x128xf32, #tpu.memory_space<vmem>>, %arg6: memref<1024x128xf32, #tpu.memory_space<vmem>>) attributes {dimension_semantics = [#tpu.dimension_semantics<arbitrary>], iteration_bounds = array<i64: 10>, scalar_prefetch = 0 : i64, scratch_operands = 0 : i64, tpu.core_type = #tpu.core_type<tc>, window_params = [{transform_indices = @transform_0, window_bounds = array<i64: 128, 128>}, {transform_indices = @transform_1, window_bounds = array<i64: 128, 128>}, {transform_indices = @transform_2, window_bounds = array<i64: 128, 128>}, {pipeline_mode = #tpu.pipeline_mode<synchronous>, transform_indices = @transform_3, window_bounds = array<i64: 16, 128>}, {pipeline_mode = #tpu.pipeline_mode<synchronous>, transform_indices = @transform_4, window_bounds = array<i64: 1, 128>}, {transform_indices = @transform_5, window_bounds = array<i64: 1024, 128>}]} {
    %get3A = arith.constant 0 : index
    %get3A_0 = arith.constant 0 : index
    %get3A_1 = vector.load %arg1[%get3A, %get3A_0] : memref<128x128xf32, #tpu.memory_space<vmem>>, vector<128x128xf32>
    %get3A_2 = arith.constant 0 : index
    %get3A_3 = arith.constant 0 : index
    %get3A_4 = vector.load %arg2[%get3A_2, %get3A_3] : memref<128x128xf32, #tpu.memory_space<vmem>>, vector<128x128xf32>
    %add3A = arith.addf %get3A_1, %get3A_4 : vector<128x128xf32>
    %get3A_5 = arith.constant 0 : index
    %get3A_6 = arith.constant 0 : index
    %get3A_7 = vector.load %arg3[%get3A_5, %get3A_6] : memref<128x128xf32, #tpu.memory_space<vmem>>, vector<128x128xf32>
    %add3A_8 = arith.addf %add3A, %get3A_7 : vector<128x128xf32>
    %get3A_9 = arith.constant 0 : index
    %get3A_10 = arith.constant 0 : index
    %get3A_11 = vector.load %arg4[%get3A_9, %get3A_10] : memref<16x128xf32, #tpu.memory_space<vmem>>, vector<16x128xf32>
    %slice3A = vector.extract_strided_slice %add3A_8 {offsets = [0, 0], sizes = [128, 16], strides = [1, 1]} : vector<128x128xf32> to vector<128x16xf32>
    %dot_general3A = arith.constant dense<0.000000e+00> : vector<128x128xf32>
    %dot_general3A_12 = tpu.matmul %slice3A, %get3A_11, %dot_general3A {dimension_numbers = #tpu.dot_dimension_numbers<[1], [0], [0], [1], [0, 0, 1, 1], [], []>, transpose_lhs_hint = false} : vector<128x16xf32>, vector<16x128xf32>, vector<128x128xf32> -> vector<128x128xf32>
    %slice3A_13 = vector.extract_strided_slice %add3A_8 {offsets = [0, 16], sizes = [128, 16], strides = [1, 1]} : vector<128x128xf32> to vector<128x16xf32>
    %dot_general3A_14 = arith.constant dense<0.000000e+00> : vector<128x128xf32>
    %dot_general3A_15 = tpu.matmul %slice3A_13, %get3A_11, %dot_general3A_14 {dimension_numbers = #tpu.dot_dimension_numbers<[1], [0], [0], [1], [0, 0, 1, 1], [], []>, transpose_lhs_hint = false} : vector<128x16xf32>, vector<16x128xf32>, vector<128x128xf32> -> vector<128x128xf32>
    %slice3A_16 = vector.extract_strided_slice %add3A_8 {offsets = [0, 32], sizes = [128, 16], strides = [1, 1]} : vector<128x128xf32> to vector<128x16xf32>
    %dot_general3A_17 = arith.constant dense<0.000000e+00> : vector<128x128xf32>
    %dot_general3A_18 = tpu.matmul %slice3A_16, %get3A_11, %dot_general3A_17 {dimension_numbers = #tpu.dot_dimension_numbers<[1], [0], [0], [1], [0, 0, 1, 1], [], []>, transpose_lhs_hint = false} : vector<128x16xf32>, vector<16x128xf32>, vector<128x128xf32> -> vector<128x128xf32>
    %slice3A_19 = vector.extract_strided_slice %add3A_8 {offsets = [0, 48], sizes = [128, 16], strides = [1, 1]} : vector<128x128xf32> to vector<128x16xf32>
    %dot_general3A_20 = arith.constant dense<0.000000e+00> : vector<128x128xf32>
    %dot_general3A_21 = tpu.matmul %slice3A_19, %get3A_11, %dot_general3A_20 {dimension_numbers = #tpu.dot_dimension_numbers<[1], [0], [0], [1], [0, 0, 1, 1], [], []>, transpose_lhs_hint = false} : vector<128x16xf32>, vector<16x128xf32>, vector<128x128xf32> -> vector<128x128xf32>
    %slice3A_22 = vector.extract_strided_slice %add3A_8 {offsets = [0, 64], sizes = [128, 16], strides = [1, 1]} : vector<128x128xf32> to vector<128x16xf32>
    %dot_general3A_23 = arith.constant dense<0.000000e+00> : vector<128x128xf32>
    %dot_general3A_24 = tpu.matmul %slice3A_22, %get3A_11, %dot_general3A_23 {dimension_numbers = #tpu.dot_dimension_numbers<[1], [0], [0], [1], [0, 0, 1, 1], [], []>, transpose_lhs_hint = false} : vector<128x16xf32>, vector<16x128xf32>, vector<128x128xf32> -> vector<128x128xf32>
    %slice3A_25 = vector.extract_strided_slice %add3A_8 {offsets = [0, 80], sizes = [128, 16], strides = [1, 1]} : vector<128x128xf32> to vector<128x16xf32>
    %dot_general3A_26 = arith.constant dense<0.000000e+00> : vector<128x128xf32>
    %dot_general3A_27 = tpu.matmul %slice3A_25, %get3A_11, %dot_general3A_26 {dimension_numbers = #tpu.dot_dimension_numbers<[1], [0], [0], [1], [0, 0, 1, 1], [], []>, transpose_lhs_hint = false} : vector<128x16xf32>, vector<16x128xf32>, vector<128x128xf32> -> vector<128x128xf32>
    %slice3A_28 = vector.extract_strided_slice %add3A_8 {offsets = [0, 96], sizes = [128, 16], strides = [1, 1]} : vector<128x128xf32> to vector<128x16xf32>
    %dot_general3A_29 = arith.constant dense<0.000000e+00> : vector<128x128xf32>
    %dot_general3A_30 = tpu.matmul %slice3A_28, %get3A_11, %dot_general3A_29 {dimension_numbers = #tpu.dot_dimension_numbers<[1], [0], [0], [1], [0, 0, 1, 1], [], []>, transpose_lhs_hint = false} : vector<128x16xf32>, vector<16x128xf32>, vector<128x128xf32> -> vector<128x128xf32>
    %slice3A_31 = vector.extract_strided_slice %add3A_8 {offsets = [0, 112], sizes = [128, 16], strides = [1, 1]} : vector<128x128xf32> to vector<128x16xf32>
    %dot_general3A_32 = arith.constant dense<0.000000e+00> : vector<128x128xf32>
    %dot_general3A_33 = tpu.matmul %slice3A_31, %get3A_11, %dot_general3A_32 {dimension_numbers = #tpu.dot_dimension_numbers<[1], [0], [0], [1], [0, 0, 1, 1], [], []>, transpose_lhs_hint = false} : vector<128x16xf32>, vector<16x128xf32>, vector<128x128xf32> -> vector<128x128xf32>
    %concatenate3A = tpu.concatenate %dot_general3A_12, %dot_general3A_15, %dot_general3A_18, %dot_general3A_21, %dot_general3A_24, %dot_general3A_27, %dot_general3A_30, %dot_general3A_33 in 0 : vector<128x128xf32>, vector<128x128xf32>, vector<128x128xf32>, vector<128x128xf32>, vector<128x128xf32>, vector<128x128xf32>, vector<128x128xf32>, vector<128x128xf32> -> vector<1024x128xf32>
    %get3A_34 = arith.constant 0 : index
    %get3A_35 = arith.constant 0 : index
    %get3A_36 = vector.load %arg5[%get3A_34, %get3A_35] : memref<1x128xf32, #tpu.memory_space<vmem>>, vector<1x128xf32>
    %add3A_37 = vector.broadcast %get3A_36 : vector<1x128xf32> to vector<1024x128xf32>
    %add3A_38 = arith.addf %concatenate3A, %add3A_37 : vector<1024x128xf32>
    %swap3A = arith.constant 0 : index
    %swap3A_39 = arith.constant 0 : index
    %swap3A_40 = vector.load %arg6[%swap3A, %swap3A_39] : memref<1024x128xf32, #tpu.memory_space<vmem>>, vector<1024x128xf32>
    tpu.vector_store %arg6[%swap3A, %swap3A_39], %add3A_38 {strides = array<i32>} : memref<1024x128xf32, #tpu.memory_space<vmem>>, vector<1024x128xf32>,
    return
  }
  func.func @transform_0(%arg0: i32) -> (i32, i32) {
    %c0_i32 = arith.constant 0 : i32
    %c0_i32_0 = arith.constant 0 : i32
    return %arg0, %c0_i32 : i32, i32
  }
  func.func @transform_1(%arg0: i32) -> (i32, i32) {
    %add3A = arith.constant 10 : i32
    %add3A_0 = arith.addi %arg0, %add3A : i32
    %c0_i32 = arith.constant 0 : i32
    %c0_i32_1 = arith.constant 0 : i32
    return %add3A_0, %c0_i32 : i32, i32
  }
  func.func @transform_2(%arg0: i32) -> (i32, i32) {
    %c0_i32 = arith.constant 0 : i32
    %c0_i32_0 = arith.constant 0 : i32
    return %arg0, %c0_i32 : i32, i32
  }
  func.func @transform_3(%arg0: i32) -> (i32, i32) {
    %c0_i32 = arith.constant 0 : i32
    %c0_i32_0 = arith.constant 0 : i32
    %c0_i32_1 = arith.constant 0 : i32
    return %c0_i32, %c0_i32_0 : i32, i32
  }
  func.func @transform_4(%arg0: i32) -> (i32, i32) {
    %c0_i32 = arith.constant 0 : i32
    %c0_i32_0 = arith.constant 0 : i32
    %c0_i32_1 = arith.constant 0 : i32
    return %c0_i32, %c0_i32_0 : i32, i32
  }
  func.func @transform_5(%arg0: i32) -> (i32, i32) {
    %c0_i32 = arith.constant 0 : i32
    %c0_i32_0 = arith.constant 0 : i32
    return %arg0, %c0_i32 : i32, i32
  }
}

module attributes {stable_mosaic.version = 14 : i64} {
  func.func @_pre_body(%arg0: i32, %arg1: memref<1024x128xf32, #tpu.memory_space<vmem>>, %arg2: memref<128x32xf32, #tpu.memory_space<vmem>>, %arg3: memref<1x32xf32, #tpu.memory_space<vmem>>, %arg4: memref<1x16xf32, #tpu.memory_space<vmem>>, %arg5: memref<16x16xf32, #tpu.memory_space<vmem>>, %arg6: memref<1x16xf32, #tpu.memory_space<vmem>>, %arg7: memref<128x128xf32, #tpu.memory_space<vmem>>, %arg8: memref<128x128xf32, #tpu.memory_space<vmem>>, %arg9: memref<1x16xf32, #tpu.memory_space<vmem>>) attributes {dimension_semantics = [#tpu.dimension_semantics<arbitrary>], iteration_bounds = array<i64: 10>, scalar_prefetch = 0 : i64, scratch_operands = 0 : i64, tpu.core_type = #tpu.core_type<tc>, window_params = [{transform_indices = @transform_0, window_bounds = array<i64: 1024, 128>}, {pipeline_mode = #tpu.pipeline_mode<synchronous>, transform_indices = @transform_1, window_bounds = array<i64: 128, 32>}, {pipeline_mode = #tpu.pipeline_mode<synchronous>, transform_indices = @transform_2, window_bounds = array<i64: 1, 32>}, {pipeline_mode = #tpu.pipeline_mode<synchronous>, transform_indices = @transform_3, window_bounds = array<i64: 1, 16>}, {pipeline_mode = #tpu.pipeline_mode<synchronous>, transform_indices = @transform_4, window_bounds = array<i64: 16, 16>}, {pipeline_mode = #tpu.pipeline_mode<synchronous>, transform_indices = @transform_5, window_bounds = array<i64: 1, 16>}, {transform_indices = @transform_6, window_bounds = array<i64: 128, 128>}, {transform_indices = @transform_7, window_bounds = array<i64: 128, 128>}, {pipeline_mode = #tpu.pipeline_mode<synchronous>, transform_indices = @transform_8, window_bounds = array<i64: 1, 16>}]} {
    %get3A = arith.constant 0 : index
    %get3A_0 = arith.constant 0 : index
    %get3A_1 = vector.load %arg1[%get3A, %get3A_0] : memref<1024x128xf32, #tpu.memory_space<vmem>>, vector<1024x128xf32>
    %get3A_2 = arith.constant 0 : index
    %get3A_3 = arith.constant 0 : index
    %get3A_4 = vector.load %arg2[%get3A_2, %get3A_3] : memref<128x32xf32, #tpu.memory_space<vmem>>, vector<128x32xf32>
    %dot_general3A = arith.constant dense<0.000000e+00> : vector<1024x32xf32>
    %dot_general3A_5 = tpu.matmul %get3A_1, %get3A_4, %dot_general3A {dimension_numbers = #tpu.dot_dimension_numbers<[1], [0], [0], [1], [0, 0, 1, 1], [], []>, transpose_lhs_hint = false} : vector<1024x128xf32>, vector<128x32xf32>, vector<1024x32xf32> -> vector<1024x32xf32>
    %get3A_6 = arith.constant 0 : index
    %get3A_7 = arith.constant 0 : index
    %get3A_8 = vector.load %arg3[%get3A_6, %get3A_7] : memref<1x32xf32, #tpu.memory_space<vmem>>, vector<1x32xf32>
    %add3A = vector.broadcast %get3A_8 : vector<1x32xf32> to vector<1024x32xf32>
    %add3A_9 = arith.addf %dot_general3A_5, %add3A : vector<1024x32xf32>
    %max3A = arith.constant 0.000000e+00 : f32
    %max3A_10 = vector.broadcast %max3A : f32 to vector<1024x32xf32>
    %max3A_11 = arith.maximumf %add3A_9, %max3A_10 : vector<1024x32xf32>
    %slice3A = vector.extract_strided_slice %max3A_11 {offsets = [0, 0], sizes = [1024, 16], strides = [1, 1]} : vector<1024x32xf32> to vector<1024x16xf32>
    %slice3A_12 = vector.extract_strided_slice %slice3A {offsets = [0, 0], sizes = [128, 16], strides = [1, 1]} : vector<1024x16xf32> to vector<128x16xf32>
    %slice3A_13 = vector.extract_strided_slice %slice3A {offsets = [128, 0], sizes = [128, 16], strides = [1, 1]} : vector<1024x16xf32> to vector<128x16xf32>
    %slice3A_14 = vector.extract_strided_slice %slice3A {offsets = [256, 0], sizes = [128, 16], strides = [1, 1]} : vector<1024x16xf32> to vector<128x16xf32>
    %slice3A_15 = vector.extract_strided_slice %slice3A {offsets = [384, 0], sizes = [128, 16], strides = [1, 1]} : vector<1024x16xf32> to vector<128x16xf32>
    %slice3A_16 = vector.extract_strided_slice %slice3A {offsets = [512, 0], sizes = [128, 16], strides = [1, 1]} : vector<1024x16xf32> to vector<128x16xf32>
    %slice3A_17 = vector.extract_strided_slice %slice3A {offsets = [640, 0], sizes = [128, 16], strides = [1, 1]} : vector<1024x16xf32> to vector<128x16xf32>
    %slice3A_18 = vector.extract_strided_slice %slice3A {offsets = [768, 0], sizes = [128, 16], strides = [1, 1]} : vector<1024x16xf32> to vector<128x16xf32>
    %slice3A_19 = vector.extract_strided_slice %slice3A {offsets = [896, 0], sizes = [128, 16], strides = [1, 1]} : vector<1024x16xf32> to vector<128x16xf32>
    %concatenate3A = tpu.concatenate %slice3A_12, %slice3A_13, %slice3A_14, %slice3A_15, %slice3A_16, %slice3A_17, %slice3A_18, %slice3A_19 in 1 : vector<128x16xf32>, vector<128x16xf32>, vector<128x16xf32>, vector<128x16xf32>, vector<128x16xf32>, vector<128x16xf32>, vector<128x16xf32>, vector<128x16xf32> -> vector<128x128xf32>
    %swap3A = arith.constant 0 : index
    %swap3A_20 = arith.constant 0 : index
    %swap3A_21 = vector.load %arg7[%swap3A, %swap3A_20] : memref<128x128xf32, #tpu.memory_space<vmem>>, vector<128x128xf32>
    tpu.vector_store %arg7[%swap3A, %swap3A_20], %concatenate3A {strides = array<i32>} : memref<128x128xf32, #tpu.memory_space<vmem>>, vector<128x128xf32>,
    %slice3A_22 = vector.extract_strided_slice %max3A_11 {offsets = [0, 16], sizes = [1024, 16], strides = [1, 1]} : vector<1024x32xf32> to vector<1024x16xf32>
    %slice3A_23 = vector.extract_strided_slice %slice3A_22 {offsets = [0, 0], sizes = [128, 16], strides = [1, 1]} : vector<1024x16xf32> to vector<128x16xf32>
    %slice3A_24 = vector.extract_strided_slice %slice3A_22 {offsets = [128, 0], sizes = [128, 16], strides = [1, 1]} : vector<1024x16xf32> to vector<128x16xf32>
    %slice3A_25 = vector.extract_strided_slice %slice3A_22 {offsets = [256, 0], sizes = [128, 16], strides = [1, 1]} : vector<1024x16xf32> to vector<128x16xf32>
    %slice3A_26 = vector.extract_strided_slice %slice3A_22 {offsets = [384, 0], sizes = [128, 16], strides = [1, 1]} : vector<1024x16xf32> to vector<128x16xf32>
    %slice3A_27 = vector.extract_strided_slice %slice3A_22 {offsets = [512, 0], sizes = [128, 16], strides = [1, 1]} : vector<1024x16xf32> to vector<128x16xf32>
    %slice3A_28 = vector.extract_strided_slice %slice3A_22 {offsets = [640, 0], sizes = [128, 16], strides = [1, 1]} : vector<1024x16xf32> to vector<128x16xf32>
    %slice3A_29 = vector.extract_strided_slice %slice3A_22 {offsets = [768, 0], sizes = [128, 16], strides = [1, 1]} : vector<1024x16xf32> to vector<128x16xf32>
    %slice3A_30 = vector.extract_strided_slice %slice3A_22 {offsets = [896, 0], sizes = [128, 16], strides = [1, 1]} : vector<1024x16xf32> to vector<128x16xf32>
    %concatenate3A_31 = tpu.concatenate %slice3A_23, %slice3A_24, %slice3A_25, %slice3A_26, %slice3A_27, %slice3A_28, %slice3A_29, %slice3A_30 in 1 : vector<128x16xf32>, vector<128x16xf32>, vector<128x16xf32>, vector<128x16xf32>, vector<128x16xf32>, vector<128x16xf32>, vector<128x16xf32>, vector<128x16xf32> -> vector<128x128xf32>
    %swap3A_32 = arith.constant 0 : index
    %swap3A_33 = arith.constant 0 : index
    %swap3A_34 = vector.load %arg8[%swap3A_32, %swap3A_33] : memref<128x128xf32, #tpu.memory_space<vmem>>, vector<128x128xf32>
    tpu.vector_store %arg8[%swap3A_32, %swap3A_33], %concatenate3A_31 {strides = array<i32>} : memref<128x128xf32, #tpu.memory_space<vmem>>, vector<128x128xf32>,
    %get3A_35 = arith.constant 0 : index
    %get3A_36 = arith.constant 0 : index
    %get3A_37 = vector.load %arg4[%get3A_35, %get3A_36] : memref<1x16xf32, #tpu.memory_space<vmem>>, vector<1x16xf32>
    %get3A_38 = arith.constant 0 : index
    %get3A_39 = arith.constant 0 : index
    %get3A_40 = vector.load %arg5[%get3A_38, %get3A_39] : memref<16x16xf32, #tpu.memory_space<vmem>>, vector<16x16xf32>
    %dot_general3A_41 = arith.constant dense<0.000000e+00> : vector<1x16xf32>
    %dot_general3A_42 = tpu.matmul %get3A_37, %get3A_40, %dot_general3A_41 {dimension_numbers = #tpu.dot_dimension_numbers<[1], [0], [0], [1], [0, 0, 1, 1], [], []>, transpose_lhs_hint = false} : vector<1x16xf32>, vector<16x16xf32>, vector<1x16xf32> -> vector<1x16xf32>
    %get3A_43 = arith.constant 0 : index
    %get3A_44 = arith.constant 0 : index
    %get3A_45 = vector.load %arg6[%get3A_43, %get3A_44] : memref<1x16xf32, #tpu.memory_space<vmem>>, vector<1x16xf32>
    %add3A_46 = arith.addf %dot_general3A_42, %get3A_45 : vector<1x16xf32>
    %max3A_47 = arith.constant 0.000000e+00 : f32
    %max3A_48 = vector.broadcast %max3A_47 : f32 to vector<1x16xf32>
    %max3A_49 = arith.maximumf %add3A_46, %max3A_48 : vector<1x16xf32>
    %swap3A_50 = arith.constant 0 : index
    %swap3A_51 = arith.constant 0 : index
    %swap3A_52 = vector.load %arg9[%swap3A_50, %swap3A_51] : memref<1x16xf32, #tpu.memory_space<vmem>>, vector<1x16xf32>
    tpu.vector_store %arg9[%swap3A_50, %swap3A_51], %max3A_49 {strides = array<i32>} : memref<1x16xf32, #tpu.memory_space<vmem>>, vector<1x16xf32>,
    return
  }
  func.func @transform_0(%arg0: i32) -> (i32, i32) {
    %c0_i32 = arith.constant 0 : i32
    %c0_i32_0 = arith.constant 0 : i32
    return %arg0, %c0_i32 : i32, i32
  }
  func.func @transform_1(%arg0: i32) -> (i32, i32) {
    %c0_i32 = arith.constant 0 : i32
    %c0_i32_0 = arith.constant 0 : i32
    %c0_i32_1 = arith.constant 0 : i32
    return %c0_i32, %c0_i32_0 : i32, i32
  }
  func.func @transform_2(%arg0: i32) -> (i32, i32) {
    %c0_i32 = arith.constant 0 : i32
    %c0_i32_0 = arith.constant 0 : i32
    %c0_i32_1 = arith.constant 0 : i32
    return %c0_i32, %c0_i32_0 : i32, i32
  }
  func.func @transform_3(%arg0: i32) -> (i32, i32) {
    %c0_i32 = arith.constant 0 : i32
    %c0_i32_0 = arith.constant 0 : i32
    %c0_i32_1 = arith.constant 0 : i32
    return %c0_i32, %c0_i32_0 : i32, i32
  }
  func.func @transform_4(%arg0: i32) -> (i32, i32) {
    %c0_i32 = arith.constant 0 : i32
    %c0_i32_0 = arith.constant 0 : i32
    %c0_i32_1 = arith.constant 0 : i32
    return %c0_i32, %c0_i32_0 : i32, i32
  }
  func.func @transform_5(%arg0: i32) -> (i32, i32) {
    %c0_i32 = arith.constant 0 : i32
    %c0_i32_0 = arith.constant 0 : i32
    %c0_i32_1 = arith.constant 0 : i32
    return %c0_i32, %c0_i32_0 : i32, i32
  }
  func.func @transform_6(%arg0: i32) -> (i32, i32) {
    %c0_i32 = arith.constant 0 : i32
    %c0_i32_0 = arith.constant 0 : i32
    return %arg0, %c0_i32 : i32, i32
  }
  func.func @transform_7(%arg0: i32) -> (i32, i32) {
    %c0_i32 = arith.constant 0 : i32
    %c0_i32_0 = arith.constant 0 : i32
    return %arg0, %c0_i32 : i32, i32
  }
  func.func @transform_8(%arg0: i32) -> (i32, i32) {
    %c0_i32 = arith.constant 0 : i32
    %c0_i32_0 = arith.constant 0 : i32
    %c0_i32_1 = arith.constant 0 : i32
    return %c0_i32, %c0_i32_0 : i32, i32
  }
}

</mosaic_0001>

<sc_bundles>
// kernel: kernel.5.cloned.1.call-start
scs
__scs_entry_jumppad:
0x0: {  	(pc) =	sbr.rel $0x88, $3  }
0x1: {  	(tag) =	ssettag $0x0;
	lr =	simm.s32 $0x1  }
0x2: {  	[smem:$0x3F96] =	sst lr;
	_ =	strace $0xD0000000  }
0x3: {  	_ = 	snop  }
0x4: {  	_ = 	snop  }
0x5: {  	_ = 	snop  }
0x6: {  	_ = 	snop  }
0x7: {  	_ = 	snop  }
__scs_overlays_trampoline_lowered:
0x8: {  	[smem:$0x3FA5] =	sst s0  }
0x9: {  	[smem:$0x3FA6] =	sst s1  }
0xa: {  	[smem:$0x3FA7] =	sst s2  }
0xb: {  	[smem:$0x3FA8] =	sst s3  }
0xc: {  	[smem:$0x3FA9] =	sst s4  }
0xd: {  	[smem:$0x3FAA] =	sst s5  }
0xe: {  	[smem:$0x3FAB] =	sst s6  }
0xf: {  	[smem:$0x3FAC] =	sst s7  }
0x10: {  	[smem:$0x3FAD] =	sst s8  }
0x11: {  	[smem:$0x3FAE] =	sst s9;
	s0 =	simm.s32 @!p0 $0x0  }
0x12: {  	s1 =	sld [smem:$0x3F94];
	s0 =	simm.s32 @p0 $0x1  }
0x13: {  	[smem:$0x3FAF] =	sst s0;
	s0 =	simm.s32 @!p1 $0x0  }
0x14: {  	s2 =	sld [smem:$0x3F93];
	s0 =	simm.s32 @p1 $0x1  }
0x15: {  	[smem:$0x3FB0] =	sst s0;
	s0 =	simm.s32 @!p2 $0x0  }
0x16: {  	s3 =	sld [smem:$0x3FDB];
	s0 =	simm.s32 @p2 $0x1  }
0x17: {  	s4 =	simm.s32 $0x1BF5;
	[smem:$0x3FB2] =	sst s0  }
0x18: {  	s0 =	sld [smem:$0x3F95];
	_ =	swait.ge [sflag:s4], $0x0  }
0x19: {  	s7 =	sld [smem:$0x3F96]  }
0x1a: {  	s8 =	sadd.s32 $0xFFFFE003, lr  }
0x1b: {  	s9 =	sadd.s32 $0xFFFFFEF7, lr;
	s5 =	simm.s32 $0xFFFFFFFF;
	p2 =	slt.u32 s8, $0xFFFFF086  }
0x1c: {  	p1 =	slt.u32 s9, $0xF7A;
	s5 =	simm.s32 @!p2 $0x0  }
0x1d: {  	s5 =	simm.s32 @p1 $0x1;
	p0 =	seq.s32 s7, s2  }
0x1e: {  	s7 =	smul.u32 @!p0 $0xF7A, s2;
	p2 =	seq.s32 @!p0 s5, $0x0  }
0x1f: {  	s9 =	smul.u32 $0xF7A, s1;
	s8 =	simm.s32 @!p0 $0x1BF5;
	p2 =	por !p2, p0  }
0x20: {  	[sflag:s8] =	ssyncset.s32 @!p0 $0xFFFFF086;
	s6 =	sadd.s32 @!p0 s3, s7;
	s7 =	simm.s32 @!p0 $0x108  }
0x21: {  	s3 =	sadd.s32 s3, s9;
	s6 =	sadd.s32 @!p0 $0x88, s6;
	s7 =	simm.s32 @p2 $0x1082  }
0x22: {  	[simem:s7], [sflag:s8] =	dma.local @!p0 [hbm:s6], $0xF7A  }
0x23: {  	s9 =	sor.u32 $0xD0000000, s2;
	s6 =	simm.s32 $0x108;
	_ =	swait.ge @!p0 [sflag:s8], $0x0  }
0x24: {  	s3 =	sadd.s32 $0x88, s3;
	s6 =	simm.s32 @!p1 $0x1082;
	[sflag:s4] =	ssyncset.s32 $0xFFFFF086  }
0x25: {  	[simem:s6], [sflag:s4] =	dma.local [hbm:s3], $0xF7A  }
0x26: {  	[smem:$0x3F96] =	sst s1;
	(tag) =	ssettag s2;
	_ =	strace s9  }
0x27: {  	s1 =	sld [smem:$0x3FA6]  }
0x28: {  	s2 =	sld [smem:$0x3FA7]  }
0x29: {  	s4 =	sld [smem:$0x3FA9]  }
0x2a: {  	p0 =	seq.s32 s5, $0x0;
	s5 =	sld [smem:$0x3FAA]  }
0x2b: {  	s6 =	sld [smem:$0x3FAB]  }
0x2c: {  	s7 =	sld [smem:$0x3FAC]  }
0x2d: {  	s3 =	simm.s32 $0x108;
	s8 =	sld [smem:$0x3FAD]  }
0x2e: {  	s3 =	simm.s32 @!p0 $0x1082;
	s9 =	sld [smem:$0x3FAE]  }
0x2f: {  	lr =	sadd.s32 s0, s3;
	s0 =	sld [smem:$0x3FA5]  }
0x30: {  	s3 =	sld [smem:$0x3FA8]  }
0x31: {  	[smem:$0x3FB1] =	sst s10  }
0x32: {  	s10 =	sld [smem:$0x3FAF];
	_ =	sdelay $0x3  }
0x33: {  	p0 =	seq.s32 s10, $0x1;
	s10 =	sld [smem:$0x3FB1];
	_ =	sdelay $0x3  }
0x34: {  	[smem:$0x3FB1] =	sst s10  }
0x35: {  	s10 =	sld [smem:$0x3FB0];
	_ =	sdelay $0x3  }
0x36: {  	p1 =	seq.s32 s10, $0x1;
	s10 =	sld [smem:$0x3FB1];
	_ =	sdelay $0x3  }
0x37: {  	[smem:$0x3FB1] =	sst s10  }
0x38: {  	s10 =	sld [smem:$0x3FB2]  }
0x39: {  	_ = 	snop;
	(pc) =	sbr.ind lr, $3  }
0x3a: {  	_ = 	snop  }
0x3b: {  	_ = 	snop  }
0x3c: {  	p2 =	seq.s32 s10, $0x1;
	s10 =	sld [smem:$0x3FB1]  }
0x3d: {  	_ =	shalt  }
0x3e: {  	_ =	shalt  }
0x3f: {  	_ =	shalt  }
0x40: {  	_ =	shalt  }
0x41: {  	_ =	shalt  }
0x42: {  	_ =	shalt  }
0x43: {  	_ =	shalt  }
0x44: {  	_ =	shalt  }
0x45: {  	_ =	shalt  }
0x46: {  	_ =	shalt  }
0x47: {  	_ =	shalt  }
0x48: {  	_ =	shalt  }
0x49: {  	_ =	shalt  }
0x4a: {  	_ =	shalt  }
0x4b: {  	_ =	shalt  }
0x4c: {  	_ =	shalt  }
0x4d: {  	_ =	shalt  }
0x4e: {  	_ =	shalt  }
0x4f: {  	_ =	shalt  }
0x50: {  	_ =	shalt  }
0x51: {  	_ =	shalt  }
0x52: {  	_ =	shalt  }
0x53: {  	_ =	shalt  }
0x54: {  	_ =	shalt  }
0x55: {  	_ =	shalt  }
0x56: {  	_ =	shalt  }
0x57: {  	_ =	shalt  }
0x58: {  	_ =	shalt  }
0x59: {  	_ =	shalt  }
0x5a: {  	_ =	shalt  }
0x5b: {  	_ =	shalt  }
0x5c: {  	_ =	shalt  }
0x5d: {  	_ =	shalt  }
0x5e: {  	_ =	shalt  }
0x5f: {  	_ =	shalt  }
0x60: {  	_ =	shalt  }
0x61: {  	_ =	shalt  }
0x62: {  	_ =	shalt  }
0x63: {  	_ =	shalt  }
0x64: {  	_ =	shalt  }
0x65: {  	_ =	shalt  }
0x66: {  	_ =	shalt  }
0x67: {  	_ =	shalt  }
0x68: {  	_ =	shalt  }
0x69: {  	_ =	shalt  }
0x6a: {  	_ =	shalt  }
0x6b: {  	_ =	shalt  }
0x6c: {  	_ =	shalt  }
0x6d: {  	_ =	shalt  }
0x6e: {  	_ =	shalt  }
0x6f: {  	_ =	shalt  }
0x70: {  	_ =	shalt  }
0x71: {  	_ =	shalt  }
0x72: {  	_ =	shalt  }
0x73: {  	_ =	shalt  }
0x74: {  	_ =	shalt  }
0x75: {  	_ =	shalt  }
0x76: {  	_ =	shalt  }
0x77: {  	_ =	shalt  }
0x78: {  	_ =	shalt  }
0x79: {  	_ =	shalt  }
0x7a: {  	_ =	shalt  }
0x7b: {  	_ =	shalt  }
0x7c: {  	_ =	shalt  }
0x7d: {  	_ =	shalt  }
0x7e: {  	_ =	shalt  }
0x7f: {  	_ =	shalt  }
0x80: {  	_ =	shalt  }
0x81: {  	_ =	shalt  }
0x82: {  	_ =	shalt  }
0x83: {  	_ =	shalt  }
0x84: {  	_ =	shalt  }
0x85: {  	_ =	shalt  }
0x86: {  	_ =	shalt  }
0x87: {  	_ =	shalt  }
.Lfunc_end0:
.L_simem_size_0:
called_computation_lowered:
.L_overlay_start_0:
0x88: {  	s2 =	sld [smem:$0x3FD9]  }
0x89: {  	s3 =	sld [smem:$0x3FFE];
	_ =	sdelay $0x1  }
0x8a: {  	s1 =	srdreg.scid  }
0x8b: {  	s0 =	sand.u32 $0x1, s1  }
0x8c: {  	s14 =	sshll.u32 s0, $0xA;
	s2 =	sadd.s32 s3, s2  }
0x8d: {  	s2 =	sadd.s32 s2, s14  }
0x8e: {  	[smem:$0x3FBD] =	sst s2  }
0x8f: {  	_ = 	snop  }
0x90: {  	s2 =	sld [smem:$0x3FD0];
	_ =	sdelay $0x2  }
0x91: {  	s4 =	simm.s32 $0xA;
	s5 =	simm.s32 $0x10;
	s15 =	sld [smem:$0x3FC7]  }
0x92: {  	[smem:s5], [sflag:s4] =	dma.local [hbm:s2], $0x1  }
0x93: {  	_ =	swait.eq [sflag:s4], $0x1  }
0x94: {  	[sflag:s4] =	ssyncset.done $0x0  }
0x95: {  	[sflag:s4] =	ssyncadd.s32 $0xFFFFFFFF  }
0x96: {  	s16 =	sld [smem:$0x10];
	(tm) =	ssettm $0x1  }
0x97: {  	s17 =	sld [smem:$0x3FFB];
	_ =	sdelay $0x3  }
0x98: {  	_ =	strace s17  }
0x99: {  	s4 =	sld [smem:$0x3FFC];
	_ =	sdelay $0x3  }
0x9a: {  	_ =	strace s4  }
0x9b: {  	s4 =	sld [smem:$0x3FFD];
	_ =	sdelay $0x3  }
0x9c: {  	_ =	strace s4  }
0x9d: {  	_ =	strace $0x8FFFFFFF  }
0x9e: {  	s18 =	sld [smem:$0x3FDB];
	_ =	sdelay $0x1  }
0x9f: {  	s19 =	simm.s32 $_scs_section_size  }
0xa0: {  	s6 =	simm.s32 $_size__tile_overlayer_lowered;
	s7 =	simm.s32 $_tile_overlayer_lowered  }
0xa1: {  	s22 =	simm.s32 $0x1BFF;
	s21 =	sshll.u32 s7, $0x1;
	s4 =	sadd.s32 s19, s18  }
0xa2: {  	s8 =	simm.s32 $0x0;
	s20 =	sshll.u32 s6, $0x1;
	s6 =	sadd.s32 s21, s4  }
0xa3: {  	[timem:s8], [sflag:s22] =	dma.local [hbm:s6], s20  }
0xa4: {  	_ =	swait.ge [sflag:s22], s20  }
0xa5: {  	s5 =	ssub.s32 $0x0, s20;
	[sflag:s22] =	ssyncset.done $0x0  }
0xa6: {  	[sflag:s22] =	ssyncadd.s32 s5;
	_ =	sdelay $0x1  }
0xa7: {  	s23 =	simm.s32 $0x1B8B  }
0xa8: {  	_ =	swait.ge [sflag:s23], $0x1  }
0xa9: {  	[sflag:s23] =	ssyncset.done $0x0  }
0xaa: {  	s25 =	simm.s32 $0x1B8E;
	s24 =	sld [smem:$0x3FFE];
	[sflag:s23] =	ssyncadd.s32 $0xFFFFFFFF  }
0xab: {  	s26 =	simm.s32 $execute0_lowered;
	[smem:$0x3FD2] =	sst s25  }
0xac: {  	s6 =	sshll.u32 s26, $0x1;
	_ =	strace $0x80000046;
	[dreg:$0x1] =	wrdreg $0xFFFFFFFF  }
0xad: {  	s28 =	simm.s32 $_size_execute0_lowered;
	s4 =	sadd.s32 s4, s6;
	[dreg:$0x0] =	wrdreg $0x0  }
0xae: {  	s6 =	sshll.u32 s28, $0x1;
	[dreg:$0x2] =	wrdreg s4  }
0xaf: {  	[dreg:$0x3] =	wrdreg s6  }
0xb0: {  	[dreg:$0x4] =	wrdreg $0xC0  }
0xb1: {  	_ =	task [dreg:s8], $0x5FFFF  }
0xb2: {  	[dreg:$0x1] =	wrdreg $0xFFFFFFFF  }
0xb3: {  	[dreg:$0x0] =	wrdreg $0x60  }
0xb4: {  	[dreg:$0x2] =	wrdreg s24  }
0xb5: {  	[dreg:$0x3] =	wrdreg s15  }
0xb6: {  	[dreg:$0x4] =	wrdreg s16  }
0xb7: {  	[dreg:$0x5] =	wrdreg $0x80000  }
0xb8: {  	[dreg:$0x6] =	wrdreg $0x9  }
0xb9: {  	_ =	task.clear_ibuf [dreg:s8], $0x7FFFF;
	_ =	strace $0x90000046  }
0xba: {  	s29 =	simm.s32 $0x9;
	_ =	strace $0x80000048  }
0xbb: {  	_ =	swait.ge [sflag:s29], $0x1  }
0xbc: {  	[sflag:s29] =	ssyncadd.s32 $0xFFFFFFFF  }
0xbd: {  	_ =	strace $0x90000048  }
0xbe: {  	_ =	sfence  }
0xbf: {  	s30 =	sld [smem:$0x0];
	_ =	sdelay $0x2  }
0xc0: {  	s31 =	sshll.u32 s1, $0xD;
	s1 =	sshrl.u32 s1, $0x2  }
0xc1: {  	s3 =	sand.u32 $0x4000, s31;
	s1 =	sadd.s32 s1, s30  }
0xc2: {  	s0 =	sor.u32 s3, s0;
	s1 =	sshll.u32 s1, $0x11  }
0xc3: {  	s0 =	sor.u32 s1, s0  }
0xc4: {  	s0 =	sadd.s32 $0x8F2B, s0  }
0xc5: {  	[sflag:s0] =	ssyncadd.remote.s32 $0x1  }
0xc6: {  	_ =	sfence.sel $0xFFFF  }
0xc7: {  	[dreg:$0x0] =	wrdreg $0xFFFFFFFF;
	(pc) =	sbr.abs _section_cstart, $3  }
0xc8: {  	[dreg:$0x1] =	wrdreg $0xFFFFFFFF  }
0xc9: {  	_ =	task.clear_ibuf [dreg:s8], $0x2FFFF;
	_ =	strace $0x9FFFFFFF  }
0xca: {  	(tm) =	ssettm $0x7FFFFFFF  }
0xcb: {  	_ =	shalt  }
tec
execute0_lowered:
.L_overlay_start_1:
0x0: {  	(tag) =	ssettag $0x1  }
0x1: {  	s4 =	rddreg [dreg:$0x0]  }
0x2: {  	s6 =	rddreg [dreg:$0x1]  }
0x3: {  	s8 =	rddreg [dreg:$0x2]  }
0x4: {  	s1 =	rddreg [dreg:$0x3]  }
0x5: {  	s0 =	rddreg [dreg:$0x4];
	s3 =	simm.s32 $0x0;
	s2 =	stileid.u32  }
0x6: {  	s5 =	srdreg.scid;
	s17 =	simm.s32 $0x0;
	s9 =	smul.u32 $0x500, s2  }
0x7: {  	[smem:$0x7FF] =	sst s3;
	s5 =	sand.u32 $0x1, s5;
	s29 =	smul.u32 $0xA000, s2  }
0x8: {  	s4 =	sadd.s32 $0x1600, s4;
	s14 =	sshll.u32 s2, $0x5;
	s31 =	sshll.u32 s2, $0x6  }
0x9: {  	_ =	strace $0x80000047;
	s7 =	sshll.u32 s5, $0x4;
	s10 =	ssub.s32 $0x2, s5  }
0xa: {  	s15 =	smul.u32 $0x5000, s5;
	s30 =	sadd.s32 s14, s6;
	s14 =	simm.s32 $0x1  }
0xb: {  	s11 =	sor.u32 s2, s7;
	s12 =	sshrl.u32 s10, $0x1;
	s7 =	sshrl.u32 s29, $0x2  }
0xc: {  	s13 =	smul.u32 $0x9C0, s11;
	s10 =	ssub.s32 s10, s12;
	s5 =	sadd.s32 s7, s1  }
0xd: {  	s7 =	sadd.s32 $0x13800, s30;
	s9 =	sadd.s32 s9, s15;
	p0 =	sgt.u32 s11, $0x3  }
0xe: {  	s11 =	simm.s32 $0x2;
	s12 =	simm.s32 $0x80;
	s15 =	sor.u32 $0x1C02, s31  }
0xf: {  	s8 =	sadd.s32 s8, s9;
	s9 =	smax.u32 s10, $0x1;
	s10 =	simm.s32 $0x5800  }
0x10: {  	v0 =	vimm.f32 $0.0e+00;
	s16 =	sshrl.u32 s5, $0x3;
	s6 =	sadd.s32 s6, s13;
	s13 =	simm.s32 $0x5000  }
.LBB2_1:
0x11: {  	s18 =	simm.s32 $0x40;
	s19 =	simm.s32 $0x0  }
.LBB2_2:
0x12: {  	p1 =	sne.s32 s18, $0x9FC0;
	[tilespmem:s19+$0x5800] =	vst v0;
	s19 =	smov.u32 s18;
	s18 =	sadd.s32 $0x40, s18  }
.Ltmp0:
0x13: {  	(pc) =	sbr.rel @p1 .LBB2_2-.Ltmp0, $2  }
0x14: {  	_ =	sdelay $0x2  }
0x15: {  	s19 =	sshra.s32 s19, $0x2  }
0x16: {  	[tilespmem:s19+$0x5800] =	vst v0  }
0x17: {  	[spmem:s5] =	stream.linear.scatter [tilespmem:s10], [sflag:$0x2], $0x2800, $0x38;
	[tilespmem:$0xA800] =	vst v63  }
0x18: {  	_ =	swait.ge [sflag:s11], $0x2800  }
0x19: {  	[sflag:s11] =	ssyncset.done $0x0  }
0x1a: {  	[sflag:s11] =	ssyncadd.s32 $0xFFFFD800  }
0x1b: {  	[tilespmem:s3], [sflag:$0x2] =	stream.linear.gather [hbm4b:s6+s3], $0x4E00, $0x38;
	[tilespmem:$0xA800] =	vst v63  }
0x1c: {  	_ =	swait.ge [sflag:s11], $0x4E00  }
0x1d: {  	[sflag:s11] =	ssyncset.done $0x0  }
0x1e: {  	s18 =	simm.s32 @!p0 $0x0;
	s19 =	simm.s32 @!p0 $0x4E00;
	[sflag:s11] =	ssyncadd.s32 $0xFFFFB200  }
0x1f: {  	[tilespmem:s19], [sflag:$0x2] =	stream.linear.gather @!p0 [hbm4b:s7+s18], $0x100, $0x38;
	[tilespmem:$0xA800] =	vst v63  }
0x20: {  	s18 =	simm.s32 @!p0 $0x2  }
0x21: {  	_ =	swait.ge @!p0 [sflag:s18], $0x100  }
0x22: {  	[sflag:s18] =	ssyncset.done @!p0 $0x0  }
0x23: {  	[sflag:s18] =	ssyncadd.s32 @!p0 $0xFFFFFF00  }
0x24: {  	[bflag:$0x0] =	sbarrier.arrive $0xFFFF  }
0x25: {  	v1 =	vld [tilespmem:$0x0]  }
0x26: {  	v2 =	vld [tilespmem:$0x10];
	_ =	sdelay $0x1  }
0x27: {  	v4 =	vld [tilespmem:$0x20];
	_ =	sdelay $0x1  }
0x28: {  	v3 =	vshll.u32 v1, $0x3;
	v5 =	vand.u32 $0xFFFFFC00, v1;
	v1 =	vshrl.u32 v1, $0x7  }
0x29: {  	v6 =	vld [tilespmem:$0x30];
	v7 =	vand.u32 $0xFFFFFC00, v2;
	v3 =	vand.u32 $0x3F8, v3;
	v1 =	vand.u32 $0x7, v1  }
0x2a: {  	v3 =	vor.u32 v5, v3;
	v5 =	vshll.u32 v2, $0x3;
	v2 =	vshrl.u32 v2, $0x7  }
0x2b: {  	v14 =	vld [tilespmem:$0xB0];
	v5 =	vand.u32 $0x3F8, v5;
	v1 =	vor.u32 v1, v3;
	v3 =	vshll.u32 v4, $0x3  }
0x2c: {  	v2 =	vand.u32 $0x7, v2;
	v5 =	vor.u32 v7, v5;
	v7 =	vld [tilespmem:$0x40];
	v3 =	vand.u32 $0x3F8, v3  }
0x2d: {  	v2 =	vor.u32 v2, v5;
	v5 =	vand.u32 $0xFFFFFC00, v4;
	v4 =	vshrl.u32 v4, $0x7  }
0x2e: {  	v3 =	vor.u32 v5, v3;
	v4 =	vand.u32 $0x7, v4;
	v5 =	vshll.u32 v6, $0x3  }
0x2f: {  	v3 =	vor.u32 v4, v3;
	v4 =	vand.u32 $0xFFFFFC00, v6;
	v5 =	vand.u32 $0x3F8, v5  }
0x30: {  	v8 =	vld [tilespmem:$0x50];
	v4 =	vor.u32 v4, v5  }
0x31: {  	v15 =	vld [tilespmem:$0xC0];
	v5 =	vshrl.u32 v6, $0x7;
	[tilespmem:$0x20] =	vst v3;
	v3 =	vshll.u32 v14, $0x3;
	v6 =	vshll.u32 v7, $0x3  }
0x32: {  	v9 =	vld [tilespmem:$0x60];
	v10 =	vand.u32 $0xFFFFFC00, v7;
	v7 =	vshrl.u32 v7, $0x7;
	v5 =	vand.u32 $0x7, v5  }
0x33: {  	v3 =	vand.u32 $0x3F8, v3;
	v6 =	vand.u32 $0x3F8, v6;
	v4 =	vor.u32 v5, v4  }
0x34: {  	v7 =	vand.u32 $0x7, v7;
	v6 =	vor.u32 v10, v6;
	v10 =	vld [tilespmem:$0x70];
	[tilespmem:$0x30] =	vst v4;
	v4 =	vand.u32 $0xFFFFFC00, v14  }
0x35: {  	v5 =	vor.u32 v7, v6;
	v6 =	vshll.u32 v8, $0x3;
	v7 =	vand.u32 $0xFFFFFC00, v8  }
0x36: {  	v8 =	vshrl.u32 v8, $0x7;
	v6 =	vand.u32 $0x3F8, v6;
	[tilespmem:$0x40] =	vst v5;
	v5 =	vshll.u32 v15, $0x3  }
0x37: {  	v11 =	vld [tilespmem:$0x80];
	v6 =	vor.u32 v7, v6;
	v7 =	vand.u32 $0x7, v8;
	v8 =	vshll.u32 v9, $0x3  }
0x38: {  	v6 =	vor.u32 v7, v6;
	v7 =	vand.u32 $0xFFFFFC00, v9;
	v8 =	vand.u32 $0x3F8, v8  }
0x39: {  	v12 =	vld [tilespmem:$0x90];
	v7 =	vor.u32 v7, v8;
	v8 =	vshrl.u32 v9, $0x7;
	v9 =	vshll.u32 v10, $0x3  }
0x3a: {  	v13 =	vand.u32 $0xFFFFFC00, v10;
	v10 =	vshrl.u32 v10, $0x7;
	v9 =	vand.u32 $0x3F8, v9  }
0x3b: {  	v8 =	vand.u32 $0x7, v8;
	v10 =	vand.u32 $0x7, v10;
	v9 =	vor.u32 v13, v9;
	v13 =	vld [tilespmem:$0xA0]  }
0x3c: {  	v7 =	vor.u32 v8, v7;
	v8 =	vor.u32 v10, v9;
	v9 =	vshll.u32 v11, $0x3  }
0x3d: {  	v10 =	vand.u32 $0xFFFFFC00, v11;
	v11 =	vshrl.u32 v11, $0x7;
	v9 =	vand.u32 $0x3F8, v9  }
0x3e: {  	v9 =	vor.u32 v10, v9;
	v10 =	vand.u32 $0x7, v11;
	v11 =	vshll.u32 v12, $0x3  }
0x3f: {  	v9 =	vor.u32 v10, v9;
	v10 =	vand.u32 $0xFFFFFC00, v12;
	v11 =	vand.u32 $0x3F8, v11  }
0x40: {  	[tilespmem:$0x0] =	vst v1;
	v10 =	vor.u32 v10, v11;
	v11 =	vshrl.u32 v12, $0x7;
	v12 =	vshll.u32 v13, $0x3  }
0x41: {  	[tilespmem:$0x10] =	vst v2;
	v1 =	vand.u32 $0xFFFFFC00, v13;
	v12 =	vand.u32 $0x3F8, v12;
	v2 =	vand.u32 $0x7, v11  }
0x42: {  	v1 =	vor.u32 v1, v12;
	v12 =	vld [tilespmem:$0xD0];
	v2 =	vor.u32 v2, v10;
	v10 =	vshrl.u32 v14, $0x7  }
0x43: {  	v3 =	vor.u32 v4, v3;
	v5 =	vand.u32 $0x3F8, v5;
	v4 =	vand.u32 $0x7, v10;
	v10 =	vld [tilespmem:$0xE0]  }
0x44: {  	v13 =	vshrl.u32 v13, $0x7;
	v3 =	vor.u32 v4, v3;
	v4 =	vand.u32 $0xFFFFFC00, v15  }
0x45: {  	[tilespmem:$0x60] =	vst v7;
	v7 =	vld [tilespmem:$0xF0];
	v11 =	vand.u32 $0x7, v13;
	v4 =	vor.u32 v4, v5;
	v5 =	vshrl.u32 v15, $0x7  }
0x46: {  	[tilespmem:$0x50] =	vst v6;
	v1 =	vor.u32 v11, v1;
	v5 =	vand.u32 $0x7, v5  }
0x47: {  	[tilespmem:$0x70] =	vst v8;
	v6 =	vshll.u32 v12, $0x3;
	v8 =	vand.u32 $0xFFFFFC00, v12;
	v11 =	vshrl.u32 v12, $0x7  }
0x48: {  	[tilespmem:$0x90] =	vst v2;
	v2 =	vor.u32 v5, v4;
	v6 =	vand.u32 $0x3F8, v6;
	v5 =	vshll.u32 v10, $0x3  }
0x49: {  	[tilespmem:$0xA0] =	vst v1;
	v1 =	vand.u32 $0xFFFFFC00, v10;
	v6 =	vor.u32 v8, v6;
	v8 =	vand.u32 $0x7, v11  }
0x4a: {  	[tilespmem:$0xC0] =	vst v2;
	v2 =	vand.u32 $0xFFFFFC00, v7;
	v5 =	vand.u32 $0x3F8, v5;
	v4 =	vor.u32 v8, v6  }
0x4b: {  	[tilespmem:$0x80] =	vst v9;
	v6 =	vshrl.u32 v10, $0x7;
	v1 =	vor.u32 v1, v5;
	v5 =	vshll.u32 v7, $0x3  }
0x4c: {  	[tilespmem:$0xB0] =	vst v3;
	v3 =	vand.u32 $0x7, v6;
	v5 =	vand.u32 $0x3F8, v5;
	v6 =	vshrl.u32 v7, $0x7  }
0x4d: {  	[tilespmem:$0xD0] =	vst v4;
	v1 =	vor.u32 v3, v1;
	v2 =	vor.u32 v2, v5;
	v3 =	vand.u32 $0x7, v6  }
0x4e: {  	[tilespmem:$0xE0] =	vst v1;
	v1 =	vor.u32 v3, v2  }
0x4f: {  	s18 =	simm.s32 $0x0;
	[tilespmem:$0xF0] =	vst v1  }
0x50: {  	[tilespmem:s13], [sflag:$0x1] =	stream.indirect.gather [hbm4b:s4+s12], $0x10, s18, s12, $0xb8;
	[tilespmem:$0xA800] =	vst v63  }
0x51: {  	v1 =	vld [tilespmem:s18+$0x1F0]  }
0x52: {  	v3 =	vld [tilespmem:s18+$0x1B0]  }
0x53: {  	v5 =	vld [tilespmem:s18+$0x120]  }
0x54: {  	v4 =	vld [tilespmem:s18+$0x1E0]  }
0x55: {  	v2 =	vld [tilespmem:s18+$0x100];
	_ =	sdelay $0x2  }
0x56: {  	v6 =	vshll.u32 v1, $0x3;
	v7 =	vshrl.u32 v1, $0x7  }
0x57: {  	v9 =	vand.u32 $0xFFFFFC00, v3;
	v10 =	vshll.u32 v3, $0x3;
	v8 =	vand.u32 $0xFFFFFC00, v1  }
0x58: {  	v1 =	vshrl.u32 v5, $0x7;
	v11 =	vshll.u32 v4, $0x3;
	v14 =	vand.u32 $0xFFFFFC00, v2  }
0x59: {  	s19 =	simm.s32 @!p0 $0x4F;
	v16 =	vand.u32 $0xFFFFFC00, v4;
	v17 =	vshll.u32 v2, $0x3;
	v6 =	vand.u32 $0x3F8, v6  }
0x5a: {  	s19 =	simm.s32 @p0 $0x4E;
	v18 =	vshrl.u32 v2, $0x7;
	v7 =	vand.u32 $0x7, v7;
	v6 =	vor.u32 v8, v6;
	v8 =	vld [tilespmem:s18+$0x110]  }
0x5b: {  	p1 =	sne.s32 s19, $0x1;
	v1 =	vand.u32 $0x7, v1;
	v12 =	vand.u32 $0x3F8, v10;
	v13 =	vand.u32 $0x3F8, v11;
	v10 =	vld [tilespmem:s18+$0x180]  }
.Ltmp1:
0x5c: {  	v2 =	vld [tilespmem:s18+$0x160];
	v11 =	vor.u32 v9, v12;
	v9 =	vand.u32 $0x3F8, v17;
	v12 =	vshrl.u32 v3, $0x7;
	(pc) =	sbr.rel @!p1 .LBB2_5-.Ltmp1, $4  }
0x5d: {  	v13 =	vor.u32 v16, v13;
	v3 =	vld [tilespmem:s18+$0x150];
	v17 =	vshrl.u32 v4, $0x7;
	v4 =	vand.u32 $0x7, v18  }
0x5e: {  	v15 =	vor.u32 v7, v6;
	v7 =	vand.u32 $0xFFFFFC00, v5;
	v6 =	vld [tilespmem:s18+$0x170];
	v19 =	vor.u32 v14, v9  }
0x5f: {  	v14 =	vand.u32 $0x7, v12;
	v9 =	vld [tilespmem:s18+$0x140];
	v12 =	vor.u32 v4, v19;
	v18 =	vshll.u32 v8, $0x3  }
0x60: {  	s20 =	simm.s32 $0x0;
	s19 =	sadd.s32 $0xFFFFFFFF, s19;
	[tilespmem:s18+$0x1F0] =	vst v15;
	v15 =	vld [tilespmem:s18+$0x130];
	v4 =	vshrl.u32 v10, $0x7;
	v16 =	vshrl.u32 v8, $0x7;
	v18 =	vand.u32 $0x3F8, v18  }
.LBB2_4:
0x61: {  	p1 =	sne.s32 s19, $0x1;
	s19 =	sadd.s32 $0xFFFFFFFF, s19;
	s20 =	sadd.s32 $0x100, s20;
	[tilespmem:s18+$0x100] =	vst v12;
	v8 =	vand.u32 $0xFFFFFC00, v8;
	v12 =	vand.u32 $0xFFFFFC00, v10;
	v17 =	vand.u32 $0x7, v17  }
0x62: {  	v10 =	vshll.u32 v10, $0x3;
	v8 =	vor.u32 v8, v18;
	v13 =	vor.u32 v17, v13  }
0x63: {  	v16 =	vand.u32 $0x7, v16;
	v5 =	vshll.u32 v5, $0x3;
	v11 =	vor.u32 v14, v11;
	[tilespmem:s18+$0x1E0] =	vst v13  }
0x64: {  	v5 =	vand.u32 $0x3F8, v5;
	v13 =	vshll.u32 v3, $0x3;
	v14 =	vshrl.u32 v3, $0x7;
	[tilespmem:s18+$0x1B0] =	vst v11  }
0x65: {  	v5 =	vor.u32 v7, v5;
	v7 =	vshll.u32 v15, $0x3;
	v11 =	vshrl.u32 v15, $0x7  }
0x66: {  	v8 =	vor.u32 v16, v8;
	v15 =	vand.u32 $0xFFFFFC00, v15;
	v7 =	vand.u32 $0x3F8, v7  }
0x67: {  	v11 =	vand.u32 $0x7, v11;
	v7 =	vor.u32 v15, v7;
	v15 =	vshrl.u32 v6, $0x7  }
0x68: {  	v7 =	vor.u32 v11, v7;
	v11 =	vand.u32 $0x3F8, v13;
	v13 =	vshll.u32 v6, $0x3  }
0x69: {  	v17 =	vshrl.u32 v2, $0x7;
	v16 =	vshrl.u32 v9, $0x7;
	[tilespmem:s18+$0x130] =	vst v7;
	v7 =	vshll.u32 v9, $0x3  }
0x6a: {  	v18 =	vshll.u32 v2, $0x3;
	v6 =	vand.u32 $0xFFFFFC00, v6;
	v9 =	vand.u32 $0xFFFFFC00, v9;
	v19 =	vld [tilespmem:s18+$0x1C0]  }
0x6b: {  	v17 =	vand.u32 $0x7, v17;
	v15 =	vand.u32 $0x7, v15;
	v13 =	vand.u32 $0x3F8, v13;
	v20 =	vld [tilespmem:s18+$0x1A0]  }
0x6c: {  	v18 =	vand.u32 $0x3F8, v18;
	v7 =	vand.u32 $0x3F8, v7;
	v6 =	vor.u32 v6, v13;
	v13 =	vld [tilespmem:s18+$0x190]  }
0x6d: {  	v3 =	vand.u32 $0xFFFFFC00, v3;
	v16 =	vand.u32 $0x7, v16;
	v6 =	vor.u32 v15, v6  }
0x6e: {  	v2 =	vand.u32 $0xFFFFFC00, v2;
	v3 =	vor.u32 v3, v11;
	v7 =	vor.u32 v9, v7  }
0x6f: {  	v9 =	vand.u32 $0x3F8, v10;
	v7 =	vor.u32 v16, v7;
	[tilespmem:s18+$0x110] =	vst v8;
	v8 =	vand.u32 $0x7, v14  }
0x70: {  	v4 =	vand.u32 $0x7, v4;
	v9 =	vor.u32 v12, v9;
	v10 =	vshrl.u32 v19, $0x7  }
0x71: {  	v1 =	vor.u32 v1, v5;
	v4 =	vor.u32 v4, v9;
	v3 =	vor.u32 v8, v3  }
0x72: {  	v8 =	vand.u32 $0x7, v10;
	v5 =	vshll.u32 v13, $0x3;
	[tilespmem:s18+$0x170] =	vst v6;
	v6 =	vshll.u32 v19, $0x3;
	v9 =	vld [tilespmem:s18+$0x1D0]  }
0x73: {  	v10 =	vshrl.u32 v13, $0x7;
	v5 =	vand.u32 $0x3F8, v5;
	v6 =	vand.u32 $0x3F8, v6  }
0x74: {  	v11 =	vand.u32 $0xFFFFFC00, v19;
	v10 =	vand.u32 $0x7, v10;
	[tilespmem:s18+$0x120] =	vst v1;
	v1 =	vand.u32 $0xFFFFFC00, v13  }
0x75: {  	[tilespmem:s18+$0x180] =	vst v4;
	v1 =	vor.u32 v1, v5;
	v4 =	vshll.u32 v20, $0x3;
	v5 =	vshrl.u32 v20, $0x7  }
0x76: {  	v1 =	vor.u32 v10, v1;
	v4 =	vand.u32 $0x3F8, v4;
	v5 =	vand.u32 $0x7, v5  }
0x77: {  	v2 =	vor.u32 v2, v18;
	v6 =	vor.u32 v11, v6;
	[tilespmem:s18+$0x190] =	vst v1;
	v1 =	vand.u32 $0xFFFFFC00, v20  }
0x78: {  	[tilespmem:s18+$0x150] =	vst v3;
	v3 =	vor.u32 v8, v6;
	v6 =	vand.u32 $0xFFFFFC00, v9;
	v8 =	vshll.u32 v9, $0x3  }
0x79: {  	v2 =	vor.u32 v17, v2;
	[tilespmem:s18+$0x1C0] =	vst v3;
	v3 =	vand.u32 $0x3F8, v8;
	v8 =	vshrl.u32 v9, $0x7  }
0x7a: {  	v1 =	vor.u32 v1, v4;
	[tilespmem:s18+$0x140] =	vst v7;
	v3 =	vor.u32 v6, v3;
	v4 =	vand.u32 $0x7, v8  }
0x7b: {  	v1 =	vor.u32 v5, v1;
	[tilespmem:s18+$0x160] =	vst v2;
	v2 =	vor.u32 v4, v3  }
0x7c: {  	[tilespmem:s18+$0x1A0] =	vst v1  }
0x7d: {  	[tilespmem:s18+$0x1D0] =	vst v2  }
0x7e: {  	_ =	swait.ge [sflag:s14], $0x800  }
0x7f: {  	[sflag:s14] =	ssyncset.done $0x0  }
0x80: {  	s21 =	sadd.s32 $0x80, s18;
	s18 =	smov.u32 s20;
	[sflag:s14] =	ssyncadd.s32 $0xFFFFF800  }
0x81: {  	[spmem:s1] =	stream.indirect.scatter.add.f32 [tilespmem:s13], [sflag:$0x2], $0x10, s21, s12, $0xb8;
	[tilespmem:$0xA800] =	vst v63  }
0x82: {  	_ =	swait.ge [sflag:s11], $0x800  }
0x83: {  	[sflag:s11] =	ssyncset.done $0x0  }
0x84: {  	[sflag:s11] =	ssyncadd.s32 $0xFFFFF800  }
0x85: {  	[tilespmem:s13], [sflag:$0x1] =	stream.indirect.gather [hbm4b:s4+s12], $0x10, s20, s12, $0xb8;
	[tilespmem:$0xA800] =	vst v63  }
0x86: {  	v1 =	vld [tilespmem:s20+$0x1F0]  }
0x87: {  	v3 =	vld [tilespmem:s20+$0x1B0]  }
0x88: {  	v5 =	vld [tilespmem:s20+$0x120]  }
0x89: {  	v4 =	vld [tilespmem:s20+$0x1E0]  }
0x8a: {  	v2 =	vld [tilespmem:s20+$0x100]  }
0x8b: {  	v8 =	vld [tilespmem:s20+$0x110];
	v6 =	vshll.u32 v1, $0x3;
	v7 =	vshrl.u32 v1, $0x7  }
0x8c: {  	v11 =	vand.u32 $0xFFFFFC00, v1;
	v9 =	vand.u32 $0xFFFFFC00, v3;
	v10 =	vshll.u32 v3, $0x3  }
0x8d: {  	v6 =	vand.u32 $0x3F8, v6;
	v7 =	vand.u32 $0x7, v7;
	v1 =	vshrl.u32 v5, $0x7  }
0x8e: {  	v6 =	vor.u32 v11, v6;
	v1 =	vand.u32 $0x7, v1;
	v12 =	vshll.u32 v4, $0x3  }
0x8f: {  	v11 =	vand.u32 $0x3F8, v10;
	v6 =	vor.u32 v7, v6;
	v12 =	vand.u32 $0x3F8, v12  }
0x90: {  	v7 =	vand.u32 $0xFFFFFC00, v5;
	v13 =	vand.u32 $0xFFFFFC00, v4;
	v14 =	vand.u32 $0xFFFFFC00, v2;
	v10 =	vld [tilespmem:s20+$0x180];
	[tilespmem:s20+$0x1F0] =	vst v6  }
.Ltmp2:
0x91: {  	v11 =	vor.u32 v9, v11;
	v15 =	vshll.u32 v2, $0x3;
	v16 =	vshrl.u32 v2, $0x7;
	v6 =	vld [tilespmem:s20+$0x170];
	(pc) =	sbr.rel @p1 .LBB2_4-.Ltmp2, $4  }
0x92: {  	v9 =	vand.u32 $0x3F8, v15;
	v15 =	vshrl.u32 v3, $0x7;
	v13 =	vor.u32 v13, v12;
	v2 =	vld [tilespmem:s20+$0x160]  }
0x93: {  	v17 =	vshrl.u32 v4, $0x7;
	v12 =	vor.u32 v14, v9;
	v14 =	vand.u32 $0x7, v15;
	v3 =	vld [tilespmem:s20+$0x150]  }
0x94: {  	v4 =	vand.u32 $0x7, v16;
	v16 =	vshrl.u32 v8, $0x7;
	v15 =	vshll.u32 v8, $0x3;
	v9 =	vld [tilespmem:s20+$0x140]  }
0x95: {  	v12 =	vor.u32 v4, v12;
	v18 =	vand.u32 $0x3F8, v15;
	v15 =	vld [tilespmem:s20+$0x130];
	v4 =	vshrl.u32 v10, $0x7  }
.LBB2_5:
0x96: {  	v8 =	vand.u32 $0xFFFFFC00, v8  }
0x97: {  	v19 =	vand.u32 $0xFFFFFC00, v10;
	v17 =	vand.u32 $0x7, v17;
	v32 =	vshll.u32 v10, $0x3  }
0x98: {  	v5 =	vshll.u32 v5, $0x3;
	v16 =	vand.u32 $0x7, v16;
	v11 =	vor.u32 v14, v11  }
0x99: {  	v4 =	vand.u32 $0x7, v4;
	v8 =	vor.u32 v8, v18;
	v13 =	vor.u32 v17, v13  }
0x9a: {  	v5 =	vand.u32 $0x3F8, v5;
	v43 =	vshrl.u32 v2, $0x7;
	v45 =	vshll.u32 v2, $0x3  }
0x9b: {  	v2 =	vand.u32 $0xFFFFFC00, v2;
	v10 =	vand.u32 $0x3F8, v32;
	v33 =	vshll.u32 v3, $0x3  }
0x9c: {  	v34 =	vshrl.u32 v3, $0x7;
	v5 =	vor.u32 v7, v5;
	v8 =	vor.u32 v16, v8  }
0x9d: {  	v39 =	vshrl.u32 v6, $0x7;
	v40 =	vshll.u32 v6, $0x3;
	v46 =	vand.u32 $0xFFFFFC00, v6  }
0x9e: {  	[tilespmem:s18+$0x1B0] =	vst v11;
	v11 =	vand.u32 $0x3F8, v45;
	v3 =	vand.u32 $0xFFFFFC00, v3;
	v10 =	vor.u32 v19, v10  }
0x9f: {  	v14 =	vand.u32 $0x3F8, v33;
	v41 =	vshll.u32 v9, $0x3;
	v42 =	vshrl.u32 v9, $0x7  }
0xa0: {  	v47 =	vld [tilespmem:s18+$0x1C0];
	v44 =	vand.u32 $0xFFFFFC00, v9;
	v16 =	vand.u32 $0x7, v39;
	v49 =	vand.u32 $0x7, v34  }
0xa1: {  	v48 =	vld [tilespmem:s18+$0x190];
	v1 =	vor.u32 v1, v5;
	v4 =	vor.u32 v4, v10;
	v2 =	vor.u32 v2, v11  }
0xa2: {  	v50 =	vld [tilespmem:s18+$0x1A0];
	v35 =	vshll.u32 v15, $0x3;
	v20 =	vshrl.u32 v15, $0x7;
	v36 =	vand.u32 $0xFFFFFC00, v15  }
0xa3: {  	v55 =	vld [tilespmem:s18+$0x1D0];
	[tilespmem:s18+$0x1E0] =	vst v13;
	v15 =	vand.u32 $0x3F8, v40;
	v13 =	vand.u32 $0x7, v42;
	v3 =	vor.u32 v3, v14  }
0xa4: {  	v18 =	vand.u32 $0x3F8, v35;
	v38 =	vand.u32 $0x7, v20;
	v6 =	vor.u32 v46, v15  }
0xa5: {  	v20 =	vand.u32 $0x7, v43;
	v51 =	vshrl.u32 v47, $0x7;
	v3 =	vor.u32 v49, v3  }
0xa6: {  	[tilespmem:s18+$0x100] =	vst v12;
	v52 =	vshll.u32 v48, $0x3;
	v53 =	vshll.u32 v47, $0x3;
	v56 =	vshrl.u32 v48, $0x7  }
0xa7: {  	[tilespmem:s18+$0x110] =	vst v8;
	v57 =	vand.u32 $0xFFFFFC00, v48;
	v58 =	vand.u32 $0xFFFFFC00, v47;
	v59 =	vshll.u32 v50, $0x3  }
0xa8: {  	[tilespmem:s18+$0x120] =	vst v1;
	v60 =	vshrl.u32 v50, $0x7;
	v62 =	vand.u32 $0xFFFFFC00, v50;
	v63 =	vshll.u32 v55, $0x3  }
0xa9: {  	[tilespmem:s18+$0x180] =	vst v4;
	v37 =	vor.u32 v36, v18;
	v18 =	vand.u32 $0x3F8, v41;
	v6 =	vor.u32 v16, v6  }
0xaa: {  	v54 =	vand.u32 $0x7, v51;
	v5 =	vand.u32 $0x3F8, v52;
	v1 =	vand.u32 $0x7, v56;
	[tilespmem:s18+$0x150] =	vst v3  }
0xab: {  	v4 =	vand.u32 $0x3F8, v59;
	v7 =	vor.u32 v38, v37;
	[tilespmem:s18+$0x170] =	vst v6;
	v5 =	vor.u32 v57, v5  }
0xac: {  	v61 =	vand.u32 $0x7, v60;
	[tilespmem:s18+$0x130] =	vst v7;
	v7 =	vand.u32 $0x3F8, v53;
	v1 =	vor.u32 v1, v5  }
0xad: {  	v3 =	vand.u32 $0xFFFFFC00, v55;
	v2 =	vor.u32 v20, v2;
	[tilespmem:s18+$0x190] =	vst v1;
	v1 =	vor.u32 v58, v7  }
0xae: {  	v9 =	vor.u32 v44, v18;
	v6 =	vshrl.u32 v55, $0x7;
	[tilespmem:s18+$0x160] =	vst v2;
	v1 =	vor.u32 v54, v1  }
0xaf: {  	v4 =	vor.u32 v62, v4;
	v9 =	vor.u32 v13, v9;
	[tilespmem:s18+$0x1C0] =	vst v1;
	v1 =	vand.u32 $0x3F8, v63  }
0xb0: {  	v2 =	vor.u32 v61, v4;
	[tilespmem:s18+$0x140] =	vst v9;
	v1 =	vor.u32 v3, v1;
	v3 =	vand.u32 $0x7, v6  }
0xb1: {  	[tilespmem:s18+$0x1A0] =	vst v2;
	v1 =	vor.u32 v3, v1  }
0xb2: {  	[tilespmem:s18+$0x1D0] =	vst v1  }
0xb3: {  	_ =	swait.ge [sflag:s14], $0x800  }
0xb4: {  	[sflag:s14] =	ssyncset.done $0x0  }
0xb5: {  	s31 =	sadd.s32 $0x80, s18;
	[sflag:s14] =	ssyncadd.s32 $0xFFFFF800  }
0xb6: {  	[spmem:s1] =	stream.indirect.scatter.add.f32 [tilespmem:s13], [sflag:$0x2], $0x10, s31, s12, $0xb8;
	[tilespmem:$0xA800] =	vst v63  }
0xb7: {  	_ =	swait.ge [sflag:s11], $0x800  }
0xb8: {  	s17 =	sadd.s32 $0x1, s17;
	[sflag:s11] =	ssyncset.done $0x0  }
0xb9: {  	p1 =	sne.s32 s17, s9;
	[sflag:s11] =	ssyncadd.s32 $0xFFFFF800  }
.Ltmp3:
0xba: {  	[bflag:$0x0] =	sbarrier.arrive $0xFFFF;
	(pc) =	sbr.rel @p1 .LBB2_1-.Ltmp3, $4  }
0xbb: {  	[hbm:s8], [sflag:s15] =	dma.local [spmem:s16], $0x500  }
0xbc: {  	_ =	swait.ge [sflag:s11], $0x500  }
0xbd: {  	[sflag:s11] =	ssyncset.done $0x0  }
0xbe: {  	[sflag:s11] =	ssyncadd.s32 $0xFFFFFB00  }
0xbf: {  	_ =	sfence.sel $0x180000  }
0xc0: {  	[bflag:$0x0] =	sbarrier.arrive $0xFFFF  }
0xc1: {  	p0 =	sne.s32 s2, $0x0;
	_ =	strace $0x90000047  }
0xc2: {  	s0 =	sadd.s32 @!p0 $0x100000, s0;
	[bflag:$0x2] =	sbarrier.arrive $0xFFFF  }
0xc3: {  	[sflag:s0] =	ssyncadd.tile.s32 @!p0 $0x1;
	_ =	shalt  }
.Lfunc_end2:
_tile_overlayer_lowered:
.L_overlay_start_2:
0xc4: {  	(tag) =	ssettag $0x2  }
0xc5: {  	s0 =	rddreg [dreg:$0x0];
	s2 =	stileid.u32  }
0xc6: {  	s1 =	rddreg [dreg:$0x1];
	p0 =	sne.s32 s2, $0x0  }
0xc7: {  	s3 =	rddreg [dreg:$0x2];
	[bflag:$0x3] =	sbarrier.arrive $0xFFFF;
	s2 =	simm.s32 @!p0 $0x1C02  }
0xc8: {  	[timem:s3], [sflag:s2] =	dma.local @!p0 [hbm:s0], s1  }
0xc9: {  	s0 =	simm.s32 @!p0 $0x2  }
0xca: {  	_ =	swait.ge @!p0 [sflag:s0], s1  }
0xcb: {  	s1 =	ssub.s32 @!p0 $0x0, s1;
	[sflag:s0] =	ssyncset.done @!p0 $0x0  }
0xcc: {  	[sflag:s0] =	ssyncadd.s32 @!p0 s1  }
0xcd: {  	[bflag:$0x3] =	sbarrier.arrive $0xFFFF  }
0xce: {  	_ =	shalt  }

</sc_bundles>
